<compile_context>
chip_gen: v7x
topology: tpu7x:2x2x1
jax: 0.10.2.dev20260603
libtpu: 0.0.44.dev20260713+nightly
codegen_flags: <defaults>
</compile_context>

<pallas_src>
import functools

import jax
import jax.numpy as jnp
from jax import lax
from jax.experimental import pallas as pl
from jax.experimental.pallas import tpu as pltpu
from jax.experimental.pallas import tpu_sc as plsc

NQ = 256
N = 16777216
NC = 2
NS = 16
NW = NC * NS
PER_W = N // NW
CHUNK = 16384
NCHUNK = PER_W // CHUNK
NV = CHUNK // 16


def _tables_body(v_ref, b_ref, out_ref):
    v = v_ref[...]
    s = jnp.log(jnp.exp(v) + (1.0 - 1e-5))
    p = s
    k = 1
    for _ in range(8):
        sh = jnp.concatenate([jnp.zeros((k, 1), jnp.float32), p[: NQ - k, :]],
                             axis=0)
        p = p + sh
        k *= 2
    cums = b_ref[0, 0] + p - s
    idx = lax.broadcasted_iota(jnp.int32, (NQ, 1), 0).astype(jnp.float32)
    out_ref[0] = jnp.broadcast_to(s * float(NQ), (NQ, 16))
    out_ref[1] = jnp.broadcast_to(cums - s * idx, (NQ, 16))


_tables = pl.pallas_call(
    _tables_body,
    out_shape=jax.ShapeDtypeStruct((2, NQ, 16), jnp.float32),
    in_specs=[
        pl.BlockSpec(memory_space=pltpu.VMEM),
        pl.BlockSpec(memory_space=pltpu.SMEM),
    ],
    out_specs=pl.BlockSpec(memory_space=pltpu.VMEM),
)


@functools.cache
def _build_sc_map():
    mesh = plsc.VectorSubcoreMesh(core_axis_name="c", subcore_axis_name="s",
                                  num_cores=NC, num_subcores=NS)

    @functools.partial(
        pl.kernel,
        out_type=jax.ShapeDtypeStruct((N,), jnp.float32),
        mesh=mesh,
        compiler_params=pltpu.CompilerParams(needs_layout_passes=False),
        scratch_types=[
            pltpu.VMEM((NQ * 16,), jnp.float32),
            pltpu.VMEM((NQ * 16,), jnp.float32),
            pltpu.VMEM((2, CHUNK), jnp.float32),
            pltpu.VMEM((2, CHUNK), jnp.float32),
            pltpu.SemaphoreType.DMA((2,)),
            pltpu.SemaphoreType.DMA((2,)),
        ],
    )
    def _sc_map(x_hbm, tab_hbm, out_hbm, atab, ctab, xbuf, obuf, insem,
                outsem):
        cid = lax.axis_index("c")
        sid = lax.axis_index("s")
        wid = sid * NC + cid
        base = wid * PER_W
        lane = lax.broadcasted_iota(jnp.int32, (16,), 0)
        pltpu.sync_copy(tab_hbm.at[0], atab)
        pltpu.sync_copy(tab_hbm.at[1], ctab)

        for b in range(2):
            pltpu.async_copy(x_hbm.at[pl.ds(base + b * CHUNK, CHUNK)],
                             xbuf.at[b], insem.at[b])

        @pl.loop(0, NCHUNK, step=2)
        def _chunk(go):
            for b in range(2):
                g = go + b
                cb = base + g * CHUNK
                pltpu.make_async_copy(x_hbm.at[pl.ds(cb, CHUNK)], xbuf.at[b],
                                      insem.at[b]).wait()

                @pl.when(g >= 2)
                def _():
                    pltpu.make_async_copy(obuf.at[b],
                                          out_hbm.at[pl.ds(cb, CHUNK)],
                                          outsem.at[b]).wait()

                @plsc.parallel_loop(0, NV, unroll=4)
                def _vec(i):
                    o = i * 16
                    xv = xbuf[b, pl.ds(o, 16)]
                    idx16 = ((xv * float(NQ * 16)).astype(jnp.int32) & -16) \
                        | lane
                    a = plsc.load_gather(atab, [idx16])
                    c = plsc.load_gather(ctab, [idx16])
                    obuf[b, pl.ds(o, 16)] = a * xv + c

                pltpu.async_copy(obuf.at[b], out_hbm.at[pl.ds(cb, CHUNK)],
                                 outsem.at[b])

                @pl.when(g + 2 < NCHUNK)
                def _():
                    nb = base + (g + 2) * CHUNK
                    pltpu.async_copy(x_hbm.at[pl.ds(nb, CHUNK)], xbuf.at[b],
                                     insem.at[b])

        for b in range(2):
            pltpu.make_async_copy(obuf.at[b], out_hbm.at[pl.ds(base, CHUNK)],
                                  outsem.at[b]).wait()

    return _sc_map


def kernel(x, v, b):
    orig_shape = x.shape
    tab = _tables(v.reshape(NQ, 1), b.reshape(1, 1))
    out = _build_sc_map()(x.reshape(-1), tab.reshape(2, NQ * 16))
    return out.reshape(orig_shape)

# --- scband reference (transcript-rebuilt; emitter-appended) ---
"""Pipeline reference for scband-learned-quantile-13091060318250 (READ-ONLY COPY).

The authoritative reference and input builder live on the scoring server;
editing this copy changes nothing except your own understanding.
"""

import jax, jax.numpy as jnp
import numpy as np

NUM_Q = 256
EPS = 1e-4


def _inv_softplus(x):
    return jnp.log(jnp.exp(x) - 1.0 + 1e-5)


def setup_inputs(seed: int = 0) -> dict:
    key = jax.random.key(seed)
    x = jax.random.uniform(key, (16777216,), dtype=jnp.float32)
    q = jax.scipy.special.ndtri(jnp.linspace(EPS, 1.0 - EPS, NUM_Q + 1))
    v = _inv_softplus(q[1:] - q[:-1]).astype(jnp.float32)
    b = q[0].astype(jnp.float32)
    return {"x": x, "v": v, "b": b}


def reference(x, v, b):
    orig_shape = x.shape
    xf_in = x.reshape(-1)
    slopes = jnp.log(jnp.exp(v) + 1.0 - 1e-5)
    cumsum = jnp.cumsum(jnp.concatenate([b.reshape(1), slopes]))
    x_floor = jnp.floor(xf_in * NUM_Q)
    x_floor = jnp.clip(x_floor, 0.0, NUM_Q - 1)
    ids = x_floor.astype(jnp.int32)
    x_floor = x_floor / NUM_Q
    slope_i = jnp.take(slopes * NUM_Q, ids, axis=0)
    cumsum_by_i = jnp.take(cumsum, ids, axis=0)
    out = cumsum_by_i + slope_i * (xf_in - x_floor)
    return out.reshape(orig_shape)

if __name__ == "__main__":
    import jax
    _d = setup_inputs()
    print(jax.jit(kernel)(*tuple(_d.values())))

</pallas_src>

<mosaic_0001>
#map = affine_map<(d0, d1) -> (0)>
#map1 = affine_map<(d0, d1) -> (0, 0)>
module attributes {stable_mosaic.version = 14 : i64} {
  func.func @_sc_map(%arg0: i32, %arg1: i32, %arg2: memref<16777216xf32, #tpu.memory_space<hbm>>, %arg3: memref<2x4096xf32, #tpu.memory_space<hbm>>, %arg4: memref<16777216xf32, #tpu.memory_space<hbm>>, %arg5: memref<4096xf32, #tpu.memory_space<vmem>>, %arg6: memref<4096xf32, #tpu.memory_space<vmem>>, %arg7: memref<2x16384xf32, #tpu.memory_space<vmem>>, %arg8: memref<2x16384xf32, #tpu.memory_space<vmem>>, %arg9: memref<2x!tpu.dma_semaphore, #tpu.memory_space<semaphore_mem>>, %arg10: memref<2x!tpu.dma_semaphore, #tpu.memory_space<semaphore_mem>>) attributes {dimension_semantics = [#tpu.dimension_semantics<core_parallel>, #tpu.dimension_semantics<subcore_parallel>], iteration_bounds = array<i64: 2, 16>, scalar_prefetch = 0 : i64, scratch_operands = 6 : i64, tpu.core_type = #tpu.core_type<sc_vector_subcore>, window_params = [{transform_indices = #map}, {transform_indices = #map1}, {transform_indices = #map}]} {
    %mul3A = arith.constant 2 : i32
    %mul3A_0 = arith.muli %arg1, %mul3A : i32
    %add3A = arith.addi %mul3A_0, %arg0 : i32
    %mul3A_1 = arith.constant 524288 : i32
    %mul3A_2 = arith.muli %add3A, %mul3A_1 : i32
    %iota3A = tpu.iota {dimensions = array<i32: 0>} : vector<16xi32>
    %run_scoped3A = arith.constant 0 : i32
    "tpu.region"() ({
      %run_scoped3A_58 = tpu.sem_alloc : memref<!tpu.dma_semaphore, #tpu.memory_space<semaphore_mem>>
      %dma_start3A_59 = arith.constant 0 : i32
      %dma_start3A_60 = tpu.memref_slice %arg3[%run_scoped3A, %dma_start3A_59] : memref<2x4096xf32, #tpu.memory_space<hbm>> -> memref<1x4096xf32, #tpu.memory_space<hbm>>
      %dma_start3A_61 = tpu.memref_squeeze %dma_start3A_60 : memref<1x4096xf32, #tpu.memory_space<hbm>> -> memref<4096xf32, #tpu.memory_space<hbm>>
      %dma_start3A_62 = arith.constant 0 : i32
      %dma_start3A_63 = tpu.memref_slice %arg3[%run_scoped3A, %dma_start3A_62] : memref<2x4096xf32, #tpu.memory_space<hbm>> -> memref<1x4096xf32, #tpu.memory_space<hbm>>
      %dma_start3A_64 = tpu.memref_squeeze %dma_start3A_63 : memref<1x4096xf32, #tpu.memory_space<hbm>> -> memref<4096xf32, #tpu.memory_space<hbm>>
      tpu.enqueue_dma source(%dma_start3A_64 : memref<4096xf32, #tpu.memory_space<hbm>>) target(%arg5 : memref<4096xf32, #tpu.memory_space<vmem>>) target_semaphore(%run_scoped3A_58 : memref<!tpu.dma_semaphore, #tpu.memory_space<semaphore_mem>>)
      %dma_wait3A_65 = arith.constant 0 : i32
      %dma_wait3A_66 = tpu.memref_slice %arg3[%run_scoped3A, %dma_wait3A_65] : memref<2x4096xf32, #tpu.memory_space<hbm>> -> memref<1x4096xf32, #tpu.memory_space<hbm>>
      %dma_wait3A_67 = tpu.memref_squeeze %dma_wait3A_66 : memref<1x4096xf32, #tpu.memory_space<hbm>> -> memref<4096xf32, #tpu.memory_space<hbm>>
      %dma_wait3A_68 = arith.constant 0 : i32
      %dma_wait3A_69 = tpu.memref_slice %arg3[%run_scoped3A, %dma_wait3A_68] : memref<2x4096xf32, #tpu.memory_space<hbm>> -> memref<1x4096xf32, #tpu.memory_space<hbm>>
      %dma_wait3A_70 = tpu.memref_squeeze %dma_wait3A_69 : memref<1x4096xf32, #tpu.memory_space<hbm>> -> memref<4096xf32, #tpu.memory_space<hbm>>
      tpu.wait_dma2 semaphore(%run_scoped3A_58 : memref<!tpu.dma_semaphore, #tpu.memory_space<semaphore_mem>>) src(%dma_wait3A_70 : memref<4096xf32, #tpu.memory_space<hbm>>) dst(%arg5 : memref<4096xf32, #tpu.memory_space<vmem>>)
      tpu.yield
    }) : () -> ()
    %run_scoped3A_3 = arith.constant 1 : i32
    "tpu.region"() ({
      %run_scoped3A_58 = tpu.sem_alloc : memref<!tpu.dma_semaphore, #tpu.memory_space<semaphore_mem>>
      %dma_start3A_59 = arith.constant 0 : i32
      %dma_start3A_60 = tpu.memref_slice %arg3[%run_scoped3A_3, %dma_start3A_59] : memref<2x4096xf32, #tpu.memory_space<hbm>> -> memref<1x4096xf32, #tpu.memory_space<hbm>>
      %dma_start3A_61 = tpu.memref_squeeze %dma_start3A_60 : memref<1x4096xf32, #tpu.memory_space<hbm>> -> memref<4096xf32, #tpu.memory_space<hbm>>
      %dma_start3A_62 = arith.constant 0 : i32
      %dma_start3A_63 = tpu.memref_slice %arg3[%run_scoped3A_3, %dma_start3A_62] : memref<2x4096xf32, #tpu.memory_space<hbm>> -> memref<1x4096xf32, #tpu.memory_space<hbm>>
      %dma_start3A_64 = tpu.memref_squeeze %dma_start3A_63 : memref<1x4096xf32, #tpu.memory_space<hbm>> -> memref<4096xf32, #tpu.memory_space<hbm>>
      tpu.enqueue_dma source(%dma_start3A_64 : memref<4096xf32, #tpu.memory_space<hbm>>) target(%arg6 : memref<4096xf32, #tpu.memory_space<vmem>>) target_semaphore(%run_scoped3A_58 : memref<!tpu.dma_semaphore, #tpu.memory_space<semaphore_mem>>)
      %dma_wait3A_65 = arith.constant 0 : i32
      %dma_wait3A_66 = tpu.memref_slice %arg3[%run_scoped3A_3, %dma_wait3A_65] : memref<2x4096xf32, #tpu.memory_space<hbm>> -> memref<1x4096xf32, #tpu.memory_space<hbm>>
      %dma_wait3A_67 = tpu.memref_squeeze %dma_wait3A_66 : memref<1x4096xf32, #tpu.memory_space<hbm>> -> memref<4096xf32, #tpu.memory_space<hbm>>
      %dma_wait3A_68 = arith.constant 0 : i32
      %dma_wait3A_69 = tpu.memref_slice %arg3[%run_scoped3A_3, %dma_wait3A_68] : memref<2x4096xf32, #tpu.memory_space<hbm>> -> memref<1x4096xf32, #tpu.memory_space<hbm>>
      %dma_wait3A_70 = tpu.memref_squeeze %dma_wait3A_69 : memref<1x4096xf32, #tpu.memory_space<hbm>> -> memref<4096xf32, #tpu.memory_space<hbm>>
      tpu.wait_dma2 semaphore(%run_scoped3A_58 : memref<!tpu.dma_semaphore, #tpu.memory_space<semaphore_mem>>) src(%dma_wait3A_70 : memref<4096xf32, #tpu.memory_space<hbm>>) dst(%arg6 : memref<4096xf32, #tpu.memory_space<vmem>>)
      tpu.yield
    }) : () -> ()
    %add3A_4 = arith.constant 0 : i32
    %add3A_5 = arith.addi %mul3A_2, %add3A_4 : i32
    %dma_start3A = arith.constant 0 : i32
    %dma_start3A_6 = arith.constant 0 : i32
    %dma_start3A_7 = arith.constant 0 : i32
    %dma_start3A_8 = tpu.memref_slice %arg7[%dma_start3A, %dma_start3A_7] : memref<2x16384xf32, #tpu.memory_space<vmem>> -> memref<1x16384xf32, #tpu.memory_space<vmem>>
    %dma_start3A_9 = tpu.memref_squeeze %dma_start3A_8 : memref<1x16384xf32, #tpu.memory_space<vmem>> -> memref<16384xf32, #tpu.memory_space<vmem>>
    %dma_start3A_10 = tpu.memref_slice %arg2[%add3A_5] : memref<16777216xf32, #tpu.memory_space<hbm>> -> memref<16384xf32, #tpu.memory_space<hbm>>
    %dma_start3A_11 = tpu.memref_slice %arg9[%dma_start3A_6] : memref<2x!tpu.dma_semaphore, #tpu.memory_space<semaphore_mem>> -> memref<1x!tpu.dma_semaphore, #tpu.memory_space<semaphore_mem>>
    %dma_start3A_12 = tpu.memref_squeeze %dma_start3A_11 : memref<1x!tpu.dma_semaphore, #tpu.memory_space<semaphore_mem>> -> memref<!tpu.dma_semaphore, #tpu.memory_space<semaphore_mem>>
    %dma_start3A_13 = arith.constant 0 : i32
    %dma_start3A_14 = tpu.memref_slice %arg7[%dma_start3A, %dma_start3A_13] : memref<2x16384xf32, #tpu.memory_space<vmem>> -> memref<1x16384xf32, #tpu.memory_space<vmem>>
    %dma_start3A_15 = tpu.memref_squeeze %dma_start3A_14 : memref<1x16384xf32, #tpu.memory_space<vmem>> -> memref<16384xf32, #tpu.memory_space<vmem>>
    %dma_start3A_16 = tpu.memref_slice %arg2[%add3A_5] : memref<16777216xf32, #tpu.memory_space<hbm>> -> memref<16384xf32, #tpu.memory_space<hbm>>
    tpu.enqueue_dma source(%dma_start3A_16 : memref<16384xf32, #tpu.memory_space<hbm>>) target(%dma_start3A_15 : memref<16384xf32, #tpu.memory_space<vmem>>) target_semaphore(%dma_start3A_12 : memref<!tpu.dma_semaphore, #tpu.memory_space<semaphore_mem>>)
    %add3A_17 = arith.constant 16384 : i32
    %add3A_18 = arith.addi %mul3A_2, %add3A_17 : i32
    %dma_start3A_19 = arith.constant 1 : i32
    %dma_start3A_20 = arith.constant 1 : i32
    %dma_start3A_21 = arith.constant 0 : i32
    %dma_start3A_22 = tpu.memref_slice %arg7[%dma_start3A_19, %dma_start3A_21] : memref<2x16384xf32, #tpu.memory_space<vmem>> -> memref<1x16384xf32, #tpu.memory_space<vmem>>
    %dma_start3A_23 = tpu.memref_squeeze %dma_start3A_22 : memref<1x16384xf32, #tpu.memory_space<vmem>> -> memref<16384xf32, #tpu.memory_space<vmem>>
    %dma_start3A_24 = tpu.memref_slice %arg2[%add3A_18] : memref<16777216xf32, #tpu.memory_space<hbm>> -> memref<16384xf32, #tpu.memory_space<hbm>>
    %dma_start3A_25 = tpu.memref_slice %arg9[%dma_start3A_20] : memref<2x!tpu.dma_semaphore, #tpu.memory_space<semaphore_mem>> -> memref<1x!tpu.dma_semaphore, #tpu.memory_space<semaphore_mem>>
    %dma_start3A_26 = tpu.memref_squeeze %dma_start3A_25 : memref<1x!tpu.dma_semaphore, #tpu.memory_space<semaphore_mem>> -> memref<!tpu.dma_semaphore, #tpu.memory_space<semaphore_mem>>
    %dma_start3A_27 = arith.constant 0 : i32
    %dma_start3A_28 = tpu.memref_slice %arg7[%dma_start3A_19, %dma_start3A_27] : memref<2x16384xf32, #tpu.memory_space<vmem>> -> memref<1x16384xf32, #tpu.memory_space<vmem>>
    %dma_start3A_29 = tpu.memref_squeeze %dma_start3A_28 : memref<1x16384xf32, #tpu.memory_space<vmem>> -> memref<16384xf32, #tpu.memory_space<vmem>>
    %dma_start3A_30 = tpu.memref_slice %arg2[%add3A_18] : memref<16777216xf32, #tpu.memory_space<hbm>> -> memref<16384xf32, #tpu.memory_space<hbm>>
    tpu.enqueue_dma source(%dma_start3A_30 : memref<16384xf32, #tpu.memory_space<hbm>>) target(%dma_start3A_29 : memref<16384xf32, #tpu.memory_space<vmem>>) target_semaphore(%dma_start3A_26 : memref<!tpu.dma_semaphore, #tpu.memory_space<semaphore_mem>>)
    %scan3A = arith.constant 0 : i32
    %scan3A_31 = arith.constant 16 : i32
    %scan3A_32 = arith.addi %scan3A, %scan3A_31 : i32
    %scan3A_33 = arith.constant 1 : i32
    scf.for %scan3A_58 = %scan3A to %scan3A_32 step %scan3A_33  : i32 {
      %mul3A_59 = arith.constant 2 : i32
      %mul3A_60 = arith.muli %scan3A_58, %mul3A_59 : i32
      %add3A_61 = arith.constant 0 : i32
      %add3A_62 = arith.addi %add3A_61, %mul3A_60 : i32
      %add3A_63 = arith.constant 0 : i32
      %add3A_64 = arith.addi %add3A_62, %add3A_63 : i32
      %mul3A_65 = arith.constant 16384 : i32
      %mul3A_66 = arith.muli %add3A_64, %mul3A_65 : i32
      %add3A_67 = arith.addi %mul3A_2, %mul3A_66 : i32
      %dma_wait3A_68 = arith.constant 0 : i32
      %dma_wait3A_69 = arith.constant 0 : i32
      %dma_wait3A_70 = arith.constant 0 : i32
      %dma_wait3A_71 = tpu.memref_slice %arg7[%dma_wait3A_68, %dma_wait3A_70] : memref<2x16384xf32, #tpu.memory_space<vmem>> -> memref<1x16384xf32, #tpu.memory_space<vmem>>
      %dma_wait3A_72 = tpu.memref_squeeze %dma_wait3A_71 : memref<1x16384xf32, #tpu.memory_space<vmem>> -> memref<16384xf32, #tpu.memory_space<vmem>>
      %dma_wait3A_73 = tpu.memref_slice %arg2[%add3A_67] : memref<16777216xf32, #tpu.memory_space<hbm>> -> memref<16384xf32, #tpu.memory_space<hbm>>
      %dma_wait3A_74 = tpu.memref_slice %arg9[%dma_wait3A_69] : memref<2x!tpu.dma_semaphore, #tpu.memory_space<semaphore_mem>> -> memref<1x!tpu.dma_semaphore, #tpu.memory_space<semaphore_mem>>
      %dma_wait3A_75 = tpu.memref_squeeze %dma_wait3A_74 : memref<1x!tpu.dma_semaphore, #tpu.memory_space<semaphore_mem>> -> memref<!tpu.dma_semaphore, #tpu.memory_space<semaphore_mem>>
      %dma_wait3A_76 = arith.constant 0 : i32
      %dma_wait3A_77 = tpu.memref_slice %arg7[%dma_wait3A_68, %dma_wait3A_76] : memref<2x16384xf32, #tpu.memory_space<vmem>> -> memref<1x16384xf32, #tpu.memory_space<vmem>>
      %dma_wait3A_78 = tpu.memref_squeeze %dma_wait3A_77 : memref<1x16384xf32, #tpu.memory_space<vmem>> -> memref<16384xf32, #tpu.memory_space<vmem>>
      %dma_wait3A_79 = tpu.memref_slice %arg2[%add3A_67] : memref<16777216xf32, #tpu.memory_space<hbm>> -> memref<16384xf32, #tpu.memory_space<hbm>>
      tpu.wait_dma2 semaphore(%dma_wait3A_75 : memref<!tpu.dma_semaphore, #tpu.memory_space<semaphore_mem>>) src(%dma_wait3A_79 : memref<16384xf32, #tpu.memory_space<hbm>>) dst(%dma_wait3A_78 : memref<16384xf32, #tpu.memory_space<vmem>>)
      %ge3A = arith.constant 2 : i32
      %ge3A_80 = arith.cmpi sge, %add3A_64, %ge3A : i32
      %convert_element_type3A = arith.extui %ge3A_80 : i1 to i32
      %cond3A = arith.constant 0 : i32
      %cond3A_81 = arith.cmpi ne, %convert_element_type3A, %cond3A : i32
      scf.if %cond3A_81 {
        %dma_wait3A_146 = arith.constant 0 : i32
        %dma_wait3A_147 = arith.constant 0 : i32
        %dma_wait3A_148 = arith.constant 0 : i32
        %dma_wait3A_149 = tpu.memref_slice %arg8[%dma_wait3A_146, %dma_wait3A_148] : memref<2x16384xf32, #tpu.memory_space<vmem>> -> memref<1x16384xf32, #tpu.memory_space<vmem>>
        %dma_wait3A_150 = tpu.memref_squeeze %dma_wait3A_149 : memref<1x16384xf32, #tpu.memory_space<vmem>> -> memref<16384xf32, #tpu.memory_space<vmem>>
        %dma_wait3A_151 = tpu.memref_slice %arg4[%add3A_67] : memref<16777216xf32, #tpu.memory_space<hbm>> -> memref<16384xf32, #tpu.memory_space<hbm>>
        %dma_wait3A_152 = tpu.memref_slice %arg10[%dma_wait3A_147] : memref<2x!tpu.dma_semaphore, #tpu.memory_space<semaphore_mem>> -> memref<1x!tpu.dma_semaphore, #tpu.memory_space<semaphore_mem>>
        %dma_wait3A_153 = tpu.memref_squeeze %dma_wait3A_152 : memref<1x!tpu.dma_semaphore, #tpu.memory_space<semaphore_mem>> -> memref<!tpu.dma_semaphore, #tpu.memory_space<semaphore_mem>>
        %dma_wait3A_154 = tpu.memref_slice %arg4[%add3A_67] : memref<16777216xf32, #tpu.memory_space<hbm>> -> memref<16384xf32, #tpu.memory_space<hbm>>
        %dma_wait3A_155 = arith.constant 0 : i32
        %dma_wait3A_156 = tpu.memref_slice %arg8[%dma_wait3A_146, %dma_wait3A_155] : memref<2x16384xf32, #tpu.memory_space<vmem>> -> memref<1x16384xf32, #tpu.memory_space<vmem>>
        %dma_wait3A_157 = tpu.memref_squeeze %dma_wait3A_156 : memref<1x16384xf32, #tpu.memory_space<vmem>> -> memref<16384xf32, #tpu.memory_space<vmem>>
        tpu.wait_dma2 semaphore(%dma_wait3A_153 : memref<!tpu.dma_semaphore, #tpu.memory_space<semaphore_mem>>) src(%dma_wait3A_157 : memref<16384xf32, #tpu.memory_space<vmem>>) dst(%dma_wait3A_154 : memref<16384xf32, #tpu.memory_space<hbm>>)
      } else {
      }
      %parallel_loop3A = arith.constant 0 : i32
      %parallel_loop3A_82 = arith.constant 1024 : i32
      %parallel_loop3A_83 = arith.constant 1 : i32
      scf.for %parallel_loop3A_146 = %parallel_loop3A to %parallel_loop3A_82 step %parallel_loop3A_83  : i32 {
        %parallel_loop3A_147 = arith.constant 16 : i32
        %parallel_loop3A_148 = arith.muli %parallel_loop3A_146, %parallel_loop3A_147 : i32
        %parallel_loop3A_149 = arith.constant 0 : i32
        %parallel_loop3A_150 = arith.index_cast %parallel_loop3A_149 : i32 to index
        %parallel_loop3A_151 = arith.index_cast %parallel_loop3A_148 : i32 to index
        %parallel_loop3A_152 = tpu.vector_load %arg7[%parallel_loop3A_150, %parallel_loop3A_151] {strides = array<i32>} : memref<2x16384xf32, #tpu.memory_space<vmem>>, vector<16xf32>,
        %parallel_loop3A_153 = arith.constant 4.096000e+03 : f32
        %parallel_loop3A_154 = vector.broadcast %parallel_loop3A_153 : f32 to vector<16xf32>
        %parallel_loop3A_155 = arith.mulf %parallel_loop3A_152, %parallel_loop3A_154 : vector<16xf32>
        %parallel_loop3A_156 = arith.fptosi %parallel_loop3A_155 : vector<16xf32> to vector<16xi32>
        %parallel_loop3A_157 = arith.constant -16 : i32
        %parallel_loop3A_158 = vector.broadcast %parallel_loop3A_157 : i32 to vector<16xi32>
        %parallel_loop3A_159 = arith.andi %parallel_loop3A_156, %parallel_loop3A_158 : vector<16xi32>
        %parallel_loop3A_160 = arith.ori %parallel_loop3A_159, %iota3A : vector<16xi32>
        %parallel_loop3A_161 = tpu.vector_load_idx %arg5[%parallel_loop3A_160] : memref<4096xf32, #tpu.memory_space<vmem>>[vector<16xi32>], vector<16xf32>,
        %parallel_loop3A_162 = tpu.vector_load_idx %arg6[%parallel_loop3A_160] : memref<4096xf32, #tpu.memory_space<vmem>>[vector<16xi32>], vector<16xf32>,
        %parallel_loop3A_163 = arith.mulf %parallel_loop3A_161, %parallel_loop3A_152 : vector<16xf32>
        %parallel_loop3A_164 = arith.addf %parallel_loop3A_163, %parallel_loop3A_162 : vector<16xf32>
        %parallel_loop3A_165 = arith.constant 0 : i32
        %parallel_loop3A_166 = arith.index_cast %parallel_loop3A_165 : i32 to index
        %parallel_loop3A_167 = arith.index_cast %parallel_loop3A_148 : i32 to index
        %parallel_loop3A_168 = tpu.vector_load %arg8[%parallel_loop3A_166, %parallel_loop3A_167] {strides = array<i32>} : memref<2x16384xf32, #tpu.memory_space<vmem>>, vector<16xf32>,
        tpu.vector_store %arg8[%parallel_loop3A_166, %parallel_loop3A_167], %parallel_loop3A_164 {strides = array<i32>} : memref<2x16384xf32, #tpu.memory_space<vmem>>, vector<16xf32>,
      } {sc.loop_unroll_factor = 4 : i64, sc.parallel_access}
      %dma_start3A_84 = arith.constant 0 : i32
      %dma_start3A_85 = arith.constant 0 : i32
      %dma_start3A_86 = arith.constant 0 : i32
      %dma_start3A_87 = tpu.memref_slice %arg8[%dma_start3A_84, %dma_start3A_86] : memref<2x16384xf32, #tpu.memory_space<vmem>> -> memref<1x16384xf32, #tpu.memory_space<vmem>>
      %dma_start3A_88 = tpu.memref_squeeze %dma_start3A_87 : memref<1x16384xf32, #tpu.memory_space<vmem>> -> memref<16384xf32, #tpu.memory_space<vmem>>
      %dma_start3A_89 = tpu.memref_slice %arg4[%add3A_67] : memref<16777216xf32, #tpu.memory_space<hbm>> -> memref<16384xf32, #tpu.memory_space<hbm>>
      %dma_start3A_90 = tpu.memref_slice %arg10[%dma_start3A_85] : memref<2x!tpu.dma_semaphore, #tpu.memory_space<semaphore_mem>> -> memref<1x!tpu.dma_semaphore, #tpu.memory_space<semaphore_mem>>
      %dma_start3A_91 = tpu.memref_squeeze %dma_start3A_90 : memref<1x!tpu.dma_semaphore, #tpu.memory_space<semaphore_mem>> -> memref<!tpu.dma_semaphore, #tpu.memory_space<semaphore_mem>>
      %dma_start3A_92 = tpu.memref_slice %arg4[%add3A_67] : memref<16777216xf32, #tpu.memory_space<hbm>> -> memref<16384xf32, #tpu.memory_space<hbm>>
      %dma_start3A_93 = arith.constant 0 : i32
      %dma_start3A_94 = tpu.memref_slice %arg8[%dma_start3A_84, %dma_start3A_93] : memref<2x16384xf32, #tpu.memory_space<vmem>> -> memref<1x16384xf32, #tpu.memory_space<vmem>>
      %dma_start3A_95 = tpu.memref_squeeze %dma_start3A_94 : memref<1x16384xf32, #tpu.memory_space<vmem>> -> memref<16384xf32, #tpu.memory_space<vmem>>
      tpu.enqueue_dma source(%dma_start3A_95 : memref<16384xf32, #tpu.memory_space<vmem>>) target(%dma_start3A_92 : memref<16384xf32, #tpu.memory_space<hbm>>) target_semaphore(%dma_start3A_91 : memref<!tpu.dma_semaphore, #tpu.memory_space<semaphore_mem>>)
      %add3A_96 = arith.constant 2 : i32
      %add3A_97 = arith.addi %add3A_64, %add3A_96 : i32
      %lt3A = arith.constant 32 : i32
      %lt3A_98 = arith.cmpi slt, %add3A_97, %lt3A : i32
      %convert_element_type3A_99 = arith.extui %lt3A_98 : i1 to i32
      %cond3A_100 = arith.constant 0 : i32
      %cond3A_101 = arith.cmpi ne, %convert_element_type3A_99, %cond3A_100 : i32
      scf.if %cond3A_101 {
        %add3A_146 = arith.constant 2 : i32
        %add3A_147 = arith.addi %add3A_64, %add3A_146 : i32
        %mul3A_148 = arith.constant 16384 : i32
        %mul3A_149 = arith.muli %add3A_147, %mul3A_148 : i32
        %add3A_150 = arith.addi %mul3A_2, %mul3A_149 : i32
        %dma_start3A_151 = arith.constant 0 : i32
        %dma_start3A_152 = arith.constant 0 : i32
        %dma_start3A_153 = arith.constant 0 : i32
        %dma_start3A_154 = tpu.memref_slice %arg7[%dma_start3A_151, %dma_start3A_153] : memref<2x16384xf32, #tpu.memory_space<vmem>> -> memref<1x16384xf32, #tpu.memory_space<vmem>>
        %dma_start3A_155 = tpu.memref_squeeze %dma_start3A_154 : memref<1x16384xf32, #tpu.memory_space<vmem>> -> memref<16384xf32, #tpu.memory_space<vmem>>
        %dma_start3A_156 = tpu.memref_slice %arg2[%add3A_150] : memref<16777216xf32, #tpu.memory_space<hbm>> -> memref<16384xf32, #tpu.memory_space<hbm>>
        %dma_start3A_157 = tpu.memref_slice %arg9[%dma_start3A_152] : memref<2x!tpu.dma_semaphore, #tpu.memory_space<semaphore_mem>> -> memref<1x!tpu.dma_semaphore, #tpu.memory_space<semaphore_mem>>
        %dma_start3A_158 = tpu.memref_squeeze %dma_start3A_157 : memref<1x!tpu.dma_semaphore, #tpu.memory_space<semaphore_mem>> -> memref<!tpu.dma_semaphore, #tpu.memory_space<semaphore_mem>>
        %dma_start3A_159 = arith.constant 0 : i32
        %dma_start3A_160 = tpu.memref_slice %arg7[%dma_start3A_151, %dma_start3A_159] : memref<2x16384xf32, #tpu.memory_space<vmem>> -> memref<1x16384xf32, #tpu.memory_space<vmem>>
        %dma_start3A_161 = tpu.memref_squeeze %dma_start3A_160 : memref<1x16384xf32, #tpu.memory_space<vmem>> -> memref<16384xf32, #tpu.memory_space<vmem>>
        %dma_start3A_162 = tpu.memref_slice %arg2[%add3A_150] : memref<16777216xf32, #tpu.memory_space<hbm>> -> memref<16384xf32, #tpu.memory_space<hbm>>
        tpu.enqueue_dma source(%dma_start3A_162 : memref<16384xf32, #tpu.memory_space<hbm>>) target(%dma_start3A_161 : memref<16384xf32, #tpu.memory_space<vmem>>) target_semaphore(%dma_start3A_158 : memref<!tpu.dma_semaphore, #tpu.memory_space<semaphore_mem>>)
      } else {
      }
      %add3A_102 = arith.constant 1 : i32
      %add3A_103 = arith.addi %add3A_62, %add3A_102 : i32
      %mul3A_104 = arith.constant 16384 : i32
      %mul3A_105 = arith.muli %add3A_103, %mul3A_104 : i32
      %add3A_106 = arith.addi %mul3A_2, %mul3A_105 : i32
      %dma_wait3A_107 = arith.constant 1 : i32
      %dma_wait3A_108 = arith.constant 1 : i32
      %dma_wait3A_109 = arith.constant 0 : i32
      %dma_wait3A_110 = tpu.memref_slice %arg7[%dma_wait3A_107, %dma_wait3A_109] : memref<2x16384xf32, #tpu.memory_space<vmem>> -> memref<1x16384xf32, #tpu.memory_space<vmem>>
      %dma_wait3A_111 = tpu.memref_squeeze %dma_wait3A_110 : memref<1x16384xf32, #tpu.memory_space<vmem>> -> memref<16384xf32, #tpu.memory_space<vmem>>
      %dma_wait3A_112 = tpu.memref_slice %arg2[%add3A_106] : memref<16777216xf32, #tpu.memory_space<hbm>> -> memref<16384xf32, #tpu.memory_space<hbm>>
      %dma_wait3A_113 = tpu.memref_slice %arg9[%dma_wait3A_108] : memref<2x!tpu.dma_semaphore, #tpu.memory_space<semaphore_mem>> -> memref<1x!tpu.dma_semaphore, #tpu.memory_space<semaphore_mem>>
      %dma_wait3A_114 = tpu.memref_squeeze %dma_wait3A_113 : memref<1x!tpu.dma_semaphore, #tpu.memory_space<semaphore_mem>> -> memref<!tpu.dma_semaphore, #tpu.memory_space<semaphore_mem>>
      %dma_wait3A_115 = arith.constant 0 : i32
      %dma_wait3A_116 = tpu.memref_slice %arg7[%dma_wait3A_107, %dma_wait3A_115] : memref<2x16384xf32, #tpu.memory_space<vmem>> -> memref<1x16384xf32, #tpu.memory_space<vmem>>
      %dma_wait3A_117 = tpu.memref_squeeze %dma_wait3A_116 : memref<1x16384xf32, #tpu.memory_space<vmem>> -> memref<16384xf32, #tpu.memory_space<vmem>>
      %dma_wait3A_118 = tpu.memref_slice %arg2[%add3A_106] : memref<16777216xf32, #tpu.memory_space<hbm>> -> memref<16384xf32, #tpu.memory_space<hbm>>
      tpu.wait_dma2 semaphore(%dma_wait3A_114 : memref<!tpu.dma_semaphore, #tpu.memory_space<semaphore_mem>>) src(%dma_wait3A_118 : memref<16384xf32, #tpu.memory_space<hbm>>) dst(%dma_wait3A_117 : memref<16384xf32, #tpu.memory_space<vmem>>)
      %ge3A_119 = arith.constant 2 : i32
      %ge3A_120 = arith.cmpi sge, %add3A_103, %ge3A_119 : i32
      %convert_element_type3A_121 = arith.extui %ge3A_120 : i1 to i32
      %cond3A_122 = arith.constant 0 : i32
      %cond3A_123 = arith.cmpi ne, %convert_element_type3A_121, %cond3A_122 : i32
      scf.if %cond3A_123 {
        %dma_wait3A_146 = arith.constant 1 : i32
        %dma_wait3A_147 = arith.constant 1 : i32
        %dma_wait3A_148 = arith.constant 0 : i32
        %dma_wait3A_149 = tpu.memref_slice %arg8[%dma_wait3A_146, %dma_wait3A_148] : memref<2x16384xf32, #tpu.memory_space<vmem>> -> memref<1x16384xf32, #tpu.memory_space<vmem>>
        %dma_wait3A_150 = tpu.memref_squeeze %dma_wait3A_149 : memref<1x16384xf32, #tpu.memory_space<vmem>> -> memref<16384xf32, #tpu.memory_space<vmem>>
        %dma_wait3A_151 = tpu.memref_slice %arg4[%add3A_106] : memref<16777216xf32, #tpu.memory_space<hbm>> -> memref<16384xf32, #tpu.memory_space<hbm>>
        %dma_wait3A_152 = tpu.memref_slice %arg10[%dma_wait3A_147] : memref<2x!tpu.dma_semaphore, #tpu.memory_space<semaphore_mem>> -> memref<1x!tpu.dma_semaphore, #tpu.memory_space<semaphore_mem>>
        %dma_wait3A_153 = tpu.memref_squeeze %dma_wait3A_152 : memref<1x!tpu.dma_semaphore, #tpu.memory_space<semaphore_mem>> -> memref<!tpu.dma_semaphore, #tpu.memory_space<semaphore_mem>>
        %dma_wait3A_154 = tpu.memref_slice %arg4[%add3A_106] : memref<16777216xf32, #tpu.memory_space<hbm>> -> memref<16384xf32, #tpu.memory_space<hbm>>
        %dma_wait3A_155 = arith.constant 0 : i32
        %dma_wait3A_156 = tpu.memref_slice %arg8[%dma_wait3A_146, %dma_wait3A_155] : memref<2x16384xf32, #tpu.memory_space<vmem>> -> memref<1x16384xf32, #tpu.memory_space<vmem>>
        %dma_wait3A_157 = tpu.memref_squeeze %dma_wait3A_156 : memref<1x16384xf32, #tpu.memory_space<vmem>> -> memref<16384xf32, #tpu.memory_space<vmem>>
        tpu.wait_dma2 semaphore(%dma_wait3A_153 : memref<!tpu.dma_semaphore, #tpu.memory_space<semaphore_mem>>) src(%dma_wait3A_157 : memref<16384xf32, #tpu.memory_space<vmem>>) dst(%dma_wait3A_154 : memref<16384xf32, #tpu.memory_space<hbm>>)
      } else {
      }
      %parallel_loop3A_124 = arith.constant 0 : i32
      %parallel_loop3A_125 = arith.constant 1024 : i32
      %parallel_loop3A_126 = arith.constant 1 : i32
      scf.for %parallel_loop3A_146 = %parallel_loop3A_124 to %parallel_loop3A_125 step %parallel_loop3A_126  : i32 {
        %parallel_loop3A_147 = arith.constant 16 : i32
        %parallel_loop3A_148 = arith.muli %parallel_loop3A_146, %parallel_loop3A_147 : i32
        %parallel_loop3A_149 = arith.constant 1 : i32
        %parallel_loop3A_150 = arith.index_cast %parallel_loop3A_149 : i32 to index
        %parallel_loop3A_151 = arith.index_cast %parallel_loop3A_148 : i32 to index
        %parallel_loop3A_152 = tpu.vector_load %arg7[%parallel_loop3A_150, %parallel_loop3A_151] {strides = array<i32>} : memref<2x16384xf32, #tpu.memory_space<vmem>>, vector<16xf32>,
        %parallel_loop3A_153 = arith.constant 4.096000e+03 : f32
        %parallel_loop3A_154 = vector.broadcast %parallel_loop3A_153 : f32 to vector<16xf32>
        %parallel_loop3A_155 = arith.mulf %parallel_loop3A_152, %parallel_loop3A_154 : vector<16xf32>
        %parallel_loop3A_156 = arith.fptosi %parallel_loop3A_155 : vector<16xf32> to vector<16xi32>
        %parallel_loop3A_157 = arith.constant -16 : i32
        %parallel_loop3A_158 = vector.broadcast %parallel_loop3A_157 : i32 to vector<16xi32>
        %parallel_loop3A_159 = arith.andi %parallel_loop3A_156, %parallel_loop3A_158 : vector<16xi32>
        %parallel_loop3A_160 = arith.ori %parallel_loop3A_159, %iota3A : vector<16xi32>
        %parallel_loop3A_161 = tpu.vector_load_idx %arg5[%parallel_loop3A_160] : memref<4096xf32, #tpu.memory_space<vmem>>[vector<16xi32>], vector<16xf32>,
        %parallel_loop3A_162 = tpu.vector_load_idx %arg6[%parallel_loop3A_160] : memref<4096xf32, #tpu.memory_space<vmem>>[vector<16xi32>], vector<16xf32>,
        %parallel_loop3A_163 = arith.mulf %parallel_loop3A_161, %parallel_loop3A_152 : vector<16xf32>
        %parallel_loop3A_164 = arith.addf %parallel_loop3A_163, %parallel_loop3A_162 : vector<16xf32>
        %parallel_loop3A_165 = arith.constant 1 : i32
        %parallel_loop3A_166 = arith.index_cast %parallel_loop3A_165 : i32 to index
        %parallel_loop3A_167 = arith.index_cast %parallel_loop3A_148 : i32 to index
        %parallel_loop3A_168 = tpu.vector_load %arg8[%parallel_loop3A_166, %parallel_loop3A_167] {strides = array<i32>} : memref<2x16384xf32, #tpu.memory_space<vmem>>, vector<16xf32>,
        tpu.vector_store %arg8[%parallel_loop3A_166, %parallel_loop3A_167], %parallel_loop3A_164 {strides = array<i32>} : memref<2x16384xf32, #tpu.memory_space<vmem>>, vector<16xf32>,
      } {sc.loop_unroll_factor = 4 : i64, sc.parallel_access}
      %dma_start3A_127 = arith.constant 1 : i32
      %dma_start3A_128 = arith.constant 1 : i32
      %dma_start3A_129 = arith.constant 0 : i32
      %dma_start3A_130 = tpu.memref_slice %arg8[%dma_start3A_127, %dma_start3A_129] : memref<2x16384xf32, #tpu.memory_space<vmem>> -> memref<1x16384xf32, #tpu.memory_space<vmem>>
      %dma_start3A_131 = tpu.memref_squeeze %dma_start3A_130 : memref<1x16384xf32, #tpu.memory_space<vmem>> -> memref<16384xf32, #tpu.memory_space<vmem>>
      %dma_start3A_132 = tpu.memref_slice %arg4[%add3A_106] : memref<16777216xf32, #tpu.memory_space<hbm>> -> memref<16384xf32, #tpu.memory_space<hbm>>
      %dma_start3A_133 = tpu.memref_slice %arg10[%dma_start3A_128] : memref<2x!tpu.dma_semaphore, #tpu.memory_space<semaphore_mem>> -> memref<1x!tpu.dma_semaphore, #tpu.memory_space<semaphore_mem>>
      %dma_start3A_134 = tpu.memref_squeeze %dma_start3A_133 : memref<1x!tpu.dma_semaphore, #tpu.memory_space<semaphore_mem>> -> memref<!tpu.dma_semaphore, #tpu.memory_space<semaphore_mem>>
      %dma_start3A_135 = tpu.memref_slice %arg4[%add3A_106] : memref<16777216xf32, #tpu.memory_space<hbm>> -> memref<16384xf32, #tpu.memory_space<hbm>>
      %dma_start3A_136 = arith.constant 0 : i32
      %dma_start3A_137 = tpu.memref_slice %arg8[%dma_start3A_127, %dma_start3A_136] : memref<2x16384xf32, #tpu.memory_space<vmem>> -> memref<1x16384xf32, #tpu.memory_space<vmem>>
      %dma_start3A_138 = tpu.memref_squeeze %dma_start3A_137 : memref<1x16384xf32, #tpu.memory_space<vmem>> -> memref<16384xf32, #tpu.memory_space<vmem>>
      tpu.enqueue_dma source(%dma_start3A_138 : memref<16384xf32, #tpu.memory_space<vmem>>) target(%dma_start3A_135 : memref<16384xf32, #tpu.memory_space<hbm>>) target_semaphore(%dma_start3A_134 : memref<!tpu.dma_semaphore, #tpu.memory_space<semaphore_mem>>)
      %add3A_139 = arith.constant 2 : i32
      %add3A_140 = arith.addi %add3A_103, %add3A_139 : i32
      %lt3A_141 = arith.constant 32 : i32
      %lt3A_142 = arith.cmpi slt, %add3A_140, %lt3A_141 : i32
      %convert_element_type3A_143 = arith.extui %lt3A_142 : i1 to i32
      %cond3A_144 = arith.constant 0 : i32
      %cond3A_145 = arith.cmpi ne, %convert_element_type3A_143, %cond3A_144 : i32
      scf.if %cond3A_145 {
        %add3A_146 = arith.constant 2 : i32
        %add3A_147 = arith.addi %add3A_103, %add3A_146 : i32
        %mul3A_148 = arith.constant 16384 : i32
        %mul3A_149 = arith.muli %add3A_147, %mul3A_148 : i32
        %add3A_150 = arith.addi %mul3A_2, %mul3A_149 : i32
        %dma_start3A_151 = arith.constant 1 : i32
        %dma_start3A_152 = arith.constant 1 : i32
        %dma_start3A_153 = arith.constant 0 : i32
        %dma_start3A_154 = tpu.memref_slice %arg7[%dma_start3A_151, %dma_start3A_153] : memref<2x16384xf32, #tpu.memory_space<vmem>> -> memref<1x16384xf32, #tpu.memory_space<vmem>>
        %dma_start3A_155 = tpu.memref_squeeze %dma_start3A_154 : memref<1x16384xf32, #tpu.memory_space<vmem>> -> memref<16384xf32, #tpu.memory_space<vmem>>
        %dma_start3A_156 = tpu.memref_slice %arg2[%add3A_150] : memref<16777216xf32, #tpu.memory_space<hbm>> -> memref<16384xf32, #tpu.memory_space<hbm>>
        %dma_start3A_157 = tpu.memref_slice %arg9[%dma_start3A_152] : memref<2x!tpu.dma_semaphore, #tpu.memory_space<semaphore_mem>> -> memref<1x!tpu.dma_semaphore, #tpu.memory_space<semaphore_mem>>
        %dma_start3A_158 = tpu.memref_squeeze %dma_start3A_157 : memref<1x!tpu.dma_semaphore, #tpu.memory_space<semaphore_mem>> -> memref<!tpu.dma_semaphore, #tpu.memory_space<semaphore_mem>>
        %dma_start3A_159 = arith.constant 0 : i32
        %dma_start3A_160 = tpu.memref_slice %arg7[%dma_start3A_151, %dma_start3A_159] : memref<2x16384xf32, #tpu.memory_space<vmem>> -> memref<1x16384xf32, #tpu.memory_space<vmem>>
        %dma_start3A_161 = tpu.memref_squeeze %dma_start3A_160 : memref<1x16384xf32, #tpu.memory_space<vmem>> -> memref<16384xf32, #tpu.memory_space<vmem>>
        %dma_start3A_162 = tpu.memref_slice %arg2[%add3A_150] : memref<16777216xf32, #tpu.memory_space<hbm>> -> memref<16384xf32, #tpu.memory_space<hbm>>
        tpu.enqueue_dma source(%dma_start3A_162 : memref<16384xf32, #tpu.memory_space<hbm>>) target(%dma_start3A_161 : memref<16384xf32, #tpu.memory_space<vmem>>) target_semaphore(%dma_start3A_158 : memref<!tpu.dma_semaphore, #tpu.memory_space<semaphore_mem>>)
      } else {
      }
    }
    %scan3A_34 = arith.constant 16 : i32
    %dma_wait3A = arith.constant 0 : i32
    %dma_wait3A_35 = arith.constant 0 : i32
    %dma_wait3A_36 = arith.constant 0 : i32
    %dma_wait3A_37 = tpu.memref_slice %arg8[%dma_wait3A, %dma_wait3A_36] : memref<2x16384xf32, #tpu.memory_space<vmem>> -> memref<1x16384xf32, #tpu.memory_space<vmem>>
    %dma_wait3A_38 = tpu.memref_squeeze %dma_wait3A_37 : memref<1x16384xf32, #tpu.memory_space<vmem>> -> memref<16384xf32, #tpu.memory_space<vmem>>
    %dma_wait3A_39 = tpu.memref_slice %arg4[%mul3A_2] : memref<16777216xf32, #tpu.memory_space<hbm>> -> memref<16384xf32, #tpu.memory_space<hbm>>
    %dma_wait3A_40 = tpu.memref_slice %arg10[%dma_wait3A_35] : memref<2x!tpu.dma_semaphore, #tpu.memory_space<semaphore_mem>> -> memref<1x!tpu.dma_semaphore, #tpu.memory_space<semaphore_mem>>
    %dma_wait3A_41 = tpu.memref_squeeze %dma_wait3A_40 : memref<1x!tpu.dma_semaphore, #tpu.memory_space<semaphore_mem>> -> memref<!tpu.dma_semaphore, #tpu.memory_space<semaphore_mem>>
    %dma_wait3A_42 = tpu.memref_slice %arg4[%mul3A_2] : memref<16777216xf32, #tpu.memory_space<hbm>> -> memref<16384xf32, #tpu.memory_space<hbm>>
    %dma_wait3A_43 = arith.constant 0 : i32
    %dma_wait3A_44 = tpu.memref_slice %arg8[%dma_wait3A, %dma_wait3A_43] : memref<2x16384xf32, #tpu.memory_space<vmem>> -> memref<1x16384xf32, #tpu.memory_space<vmem>>
    %dma_wait3A_45 = tpu.memref_squeeze %dma_wait3A_44 : memref<1x16384xf32, #tpu.memory_space<vmem>> -> memref<16384xf32, #tpu.memory_space<vmem>>
    tpu.wait_dma2 semaphore(%dma_wait3A_41 : memref<!tpu.dma_semaphore, #tpu.memory_space<semaphore_mem>>) src(%dma_wait3A_45 : memref<16384xf32, #tpu.memory_space<vmem>>) dst(%dma_wait3A_42 : memref<16384xf32, #tpu.memory_space<hbm>>)
    %dma_wait3A_46 = arith.constant 1 : i32
    %dma_wait3A_47 = arith.constant 1 : i32
    %dma_wait3A_48 = arith.constant 0 : i32
    %dma_wait3A_49 = tpu.memref_slice %arg8[%dma_wait3A_46, %dma_wait3A_48] : memref<2x16384xf32, #tpu.memory_space<vmem>> -> memref<1x16384xf32, #tpu.memory_space<vmem>>
    %dma_wait3A_50 = tpu.memref_squeeze %dma_wait3A_49 : memref<1x16384xf32, #tpu.memory_space<vmem>> -> memref<16384xf32, #tpu.memory_space<vmem>>
    %dma_wait3A_51 = tpu.memref_slice %arg4[%mul3A_2] : memref<16777216xf32, #tpu.memory_space<hbm>> -> memref<16384xf32, #tpu.memory_space<hbm>>
    %dma_wait3A_52 = tpu.memref_slice %arg10[%dma_wait3A_47] : memref<2x!tpu.dma_semaphore, #tpu.memory_space<semaphore_mem>> -> memref<1x!tpu.dma_semaphore, #tpu.memory_space<semaphore_mem>>
    %dma_wait3A_53 = tpu.memref_squeeze %dma_wait3A_52 : memref<1x!tpu.dma_semaphore, #tpu.memory_space<semaphore_mem>> -> memref<!tpu.dma_semaphore, #tpu.memory_space<semaphore_mem>>
    %dma_wait3A_54 = tpu.memref_slice %arg4[%mul3A_2] : memref<16777216xf32, #tpu.memory_space<hbm>> -> memref<16384xf32, #tpu.memory_space<hbm>>
    %dma_wait3A_55 = arith.constant 0 : i32
    %dma_wait3A_56 = tpu.memref_slice %arg8[%dma_wait3A_46, %dma_wait3A_55] : memref<2x16384xf32, #tpu.memory_space<vmem>> -> memref<1x16384xf32, #tpu.memory_space<vmem>>
    %dma_wait3A_57 = tpu.memref_squeeze %dma_wait3A_56 : memref<1x16384xf32, #tpu.memory_space<vmem>> -> memref<16384xf32, #tpu.memory_space<vmem>>
    tpu.wait_dma2 semaphore(%dma_wait3A_53 : memref<!tpu.dma_semaphore, #tpu.memory_space<semaphore_mem>>) src(%dma_wait3A_57 : memref<16384xf32, #tpu.memory_space<vmem>>) dst(%dma_wait3A_54 : memref<16384xf32, #tpu.memory_space<hbm>>)
    return
  }
}

module attributes {stable_mosaic.version = 14 : i64} {
  func.func @_tables_body(%arg0: memref<256x1xf32, #tpu.memory_space<vmem>>, %arg1: memref<1x1xf32, #tpu.memory_space<smem>>, %arg2: memref<2x256x16xf32, #tpu.memory_space<vmem>>) attributes {dimension_semantics = [], scalar_prefetch = 0 : i64, scratch_operands = 0 : i64, tpu.core_type = #tpu.core_type<tc>} {
    %get3A = arith.constant 0 : index
    %get3A_0 = arith.constant 0 : index
    %get3A_1 = vector.load %arg0[%get3A, %get3A_0] : memref<256x1xf32, #tpu.memory_space<vmem>>, vector<256x1xf32>
    %exp3A = math.exp %get3A_1 : vector<256x1xf32>
    %add3A = arith.constant 0.999989986 : f32
    %add3A_2 = vector.broadcast %add3A : f32 to vector<256x1xf32>
    %add3A_3 = arith.addf %exp3A, %add3A_2 : vector<256x1xf32>
    %log3A = math.log %add3A_3 : vector<256x1xf32>
    %broadcast_in_dim3A = arith.constant 0.000000e+00 : f32
    %broadcast_in_dim3A_4 = vector.broadcast %broadcast_in_dim3A : f32 to vector<1x1xf32>
    %slice3A = vector.extract_strided_slice %log3A {offsets = [0, 0], sizes = [255, 1], strides = [1, 1]} : vector<256x1xf32> to vector<255x1xf32>
    %concatenate3A = tpu.concatenate %broadcast_in_dim3A_4, %slice3A in 0 : vector<1x1xf32>, vector<255x1xf32> -> vector<256x1xf32>
    %add3A_5 = arith.addf %log3A, %concatenate3A : vector<256x1xf32>
    %broadcast_in_dim3A_6 = arith.constant 0.000000e+00 : f32
    %broadcast_in_dim3A_7 = vector.broadcast %broadcast_in_dim3A_6 : f32 to vector<2x1xf32>
    %slice3A_8 = vector.extract_strided_slice %add3A_5 {offsets = [0, 0], sizes = [254, 1], strides = [1, 1]} : vector<256x1xf32> to vector<254x1xf32>
    %concatenate3A_9 = tpu.concatenate %broadcast_in_dim3A_7, %slice3A_8 in 0 : vector<2x1xf32>, vector<254x1xf32> -> vector<256x1xf32>
    %add3A_10 = arith.addf %add3A_5, %concatenate3A_9 : vector<256x1xf32>
    %broadcast_in_dim3A_11 = arith.constant 0.000000e+00 : f32
    %broadcast_in_dim3A_12 = vector.broadcast %broadcast_in_dim3A_11 : f32 to vector<4x1xf32>
    %slice3A_13 = vector.extract_strided_slice %add3A_10 {offsets = [0, 0], sizes = [252, 1], strides = [1, 1]} : vector<256x1xf32> to vector<252x1xf32>
    %concatenate3A_14 = tpu.concatenate %broadcast_in_dim3A_12, %slice3A_13 in 0 : vector<4x1xf32>, vector<252x1xf32> -> vector<256x1xf32>
    %add3A_15 = arith.addf %add3A_10, %concatenate3A_14 : vector<256x1xf32>
    %broadcast_in_dim3A_16 = arith.constant 0.000000e+00 : f32
    %broadcast_in_dim3A_17 = vector.broadcast %broadcast_in_dim3A_16 : f32 to vector<8x1xf32>
    %slice3A_18 = vector.extract_strided_slice %add3A_15 {offsets = [0, 0], sizes = [248, 1], strides = [1, 1]} : vector<256x1xf32> to vector<248x1xf32>
    %concatenate3A_19 = tpu.concatenate %broadcast_in_dim3A_17, %slice3A_18 in 0 : vector<8x1xf32>, vector<248x1xf32> -> vector<256x1xf32>
    %add3A_20 = arith.addf %add3A_15, %concatenate3A_19 : vector<256x1xf32>
    %broadcast_in_dim3A_21 = arith.constant 0.000000e+00 : f32
    %broadcast_in_dim3A_22 = vector.broadcast %broadcast_in_dim3A_21 : f32 to vector<16x1xf32>
    %slice3A_23 = vector.extract_strided_slice %add3A_20 {offsets = [0, 0], sizes = [240, 1], strides = [1, 1]} : vector<256x1xf32> to vector<240x1xf32>
    %concatenate3A_24 = tpu.concatenate %broadcast_in_dim3A_22, %slice3A_23 in 0 : vector<16x1xf32>, vector<240x1xf32> -> vector<256x1xf32>
    %add3A_25 = arith.addf %add3A_20, %concatenate3A_24 : vector<256x1xf32>
    %broadcast_in_dim3A_26 = arith.constant 0.000000e+00 : f32
    %broadcast_in_dim3A_27 = vector.broadcast %broadcast_in_dim3A_26 : f32 to vector<32x1xf32>
    %slice3A_28 = vector.extract_strided_slice %add3A_25 {offsets = [0, 0], sizes = [224, 1], strides = [1, 1]} : vector<256x1xf32> to vector<224x1xf32>
    %concatenate3A_29 = tpu.concatenate %broadcast_in_dim3A_27, %slice3A_28 in 0 : vector<32x1xf32>, vector<224x1xf32> -> vector<256x1xf32>
    %add3A_30 = arith.addf %add3A_25, %concatenate3A_29 : vector<256x1xf32>
    %broadcast_in_dim3A_31 = arith.constant 0.000000e+00 : f32
    %broadcast_in_dim3A_32 = vector.broadcast %broadcast_in_dim3A_31 : f32 to vector<64x1xf32>
    %slice3A_33 = vector.extract_strided_slice %add3A_30 {offsets = [0, 0], sizes = [192, 1], strides = [1, 1]} : vector<256x1xf32> to vector<192x1xf32>
    %concatenate3A_34 = tpu.concatenate %broadcast_in_dim3A_32, %slice3A_33 in 0 : vector<64x1xf32>, vector<192x1xf32> -> vector<256x1xf32>
    %add3A_35 = arith.addf %add3A_30, %concatenate3A_34 : vector<256x1xf32>
    %broadcast_in_dim3A_36 = arith.constant 0.000000e+00 : f32
    %broadcast_in_dim3A_37 = vector.broadcast %broadcast_in_dim3A_36 : f32 to vector<128x1xf32>
    %slice3A_38 = vector.extract_strided_slice %add3A_35 {offsets = [0, 0], sizes = [128, 1], strides = [1, 1]} : vector<256x1xf32> to vector<128x1xf32>
    %concatenate3A_39 = tpu.concatenate %broadcast_in_dim3A_37, %slice3A_38 in 0 : vector<128x1xf32>, vector<128x1xf32> -> vector<256x1xf32>
    %add3A_40 = arith.addf %add3A_35, %concatenate3A_39 : vector<256x1xf32>
    %get3A_41 = arith.constant 0 : index
    %get3A_42 = arith.constant 0 : index
    %get3A_43 = memref.load %arg1[%get3A_41, %get3A_42] : memref<1x1xf32, #tpu.memory_space<smem>>
    %add3A_44 = vector.broadcast %get3A_43 : f32 to vector<256x1xf32>
    %add3A_45 = arith.addf %add3A_44, %add3A_40 : vector<256x1xf32>
    %sub3A = arith.subf %add3A_45, %log3A : vector<256x1xf32>
    %iota3A = tpu.iota {dimensions = array<i32: 0>} : vector<256x1xi32>
    %convert_element_type3A = arith.sitofp %iota3A : vector<256x1xi32> to vector<256x1xf32>
    %mul3A = arith.constant 2.560000e+02 : f32
    %mul3A_46 = vector.broadcast %mul3A : f32 to vector<256x1xf32>
    %mul3A_47 = arith.mulf %log3A, %mul3A_46 : vector<256x1xf32>
    %broadcast_in_dim3A_48 = vector.shape_cast %mul3A_47 : vector<256x1xf32> to vector<256x1xf32>
    %broadcast_in_dim3A_49 = vector.broadcast %broadcast_in_dim3A_48 : vector<256x1xf32> to vector<256x16xf32>
    %swap3A = arith.constant 0 : index
    %swap3A_50 = arith.constant 0 : index
    %swap3A_51 = arith.constant 0 : index
    %swap3A_52 = vector.load %arg2[%swap3A, %swap3A_50, %swap3A_51] : memref<2x256x16xf32, #tpu.memory_space<vmem>>, vector<1x256x16xf32>
    %swap3A_53 = vector.shape_cast %swap3A_52 : vector<1x256x16xf32> to vector<256x16xf32>
    %swap3A_54 = vector.shape_cast %broadcast_in_dim3A_49 : vector<256x16xf32> to vector<1x256x16xf32>
    tpu.vector_store %arg2[%swap3A, %swap3A_50, %swap3A_51], %swap3A_54 {strides = array<i32>} : memref<2x256x16xf32, #tpu.memory_space<vmem>>, vector<1x256x16xf32>,
    %mul3A_55 = arith.mulf %log3A, %convert_element_type3A : vector<256x1xf32>
    %sub3A_56 = arith.subf %sub3A, %mul3A_55 : vector<256x1xf32>
    %broadcast_in_dim3A_57 = vector.shape_cast %sub3A_56 : vector<256x1xf32> to vector<256x1xf32>
    %broadcast_in_dim3A_58 = vector.broadcast %broadcast_in_dim3A_57 : vector<256x1xf32> to vector<256x16xf32>
    %swap3A_59 = arith.constant 1 : index
    %swap3A_60 = arith.constant 0 : index
    %swap3A_61 = arith.constant 0 : index
    %swap3A_62 = vector.load %arg2[%swap3A_59, %swap3A_60, %swap3A_61] : memref<2x256x16xf32, #tpu.memory_space<vmem>>, vector<1x256x16xf32>
    %swap3A_63 = vector.shape_cast %swap3A_62 : vector<1x256x16xf32> to vector<256x16xf32>
    %swap3A_64 = vector.shape_cast %broadcast_in_dim3A_58 : vector<256x16xf32> to vector<1x256x16xf32>
    tpu.vector_store %arg2[%swap3A_59, %swap3A_60, %swap3A_61], %swap3A_64 {strides = array<i32>} : memref<2x256x16xf32, #tpu.memory_space<vmem>>, vector<1x256x16xf32>,
    return
  }
}

</mosaic_0001>

<sc_bundles>
// kernel: kernel.4.cloned.1.call-start
scs
__scs_entry_jumppad:
0x0: {  	(pc) =	sbr.rel $0x88, $3  }
0x1: {  	(tag) =	ssettag $0x0;
	lr =	simm.s32 $0x1  }
0x2: {  	[smem:$0x3F9E] =	sst lr;
	_ =	strace $0xD0000000  }
0x3: {  	_ = 	snop  }
0x4: {  	_ = 	snop  }
0x5: {  	_ = 	snop  }
0x6: {  	_ = 	snop  }
0x7: {  	_ = 	snop  }
__scs_overlays_trampoline_lowered:
0x8: {  	[smem:$0x3FAD] =	sst s0  }
0x9: {  	[smem:$0x3FAE] =	sst s1  }
0xa: {  	[smem:$0x3FAF] =	sst s2  }
0xb: {  	[smem:$0x3FB0] =	sst s3  }
0xc: {  	[smem:$0x3FB1] =	sst s4  }
0xd: {  	[smem:$0x3FB2] =	sst s5  }
0xe: {  	[smem:$0x3FB3] =	sst s6  }
0xf: {  	[smem:$0x3FB4] =	sst s7  }
0x10: {  	[smem:$0x3FB5] =	sst s8  }
0x11: {  	[smem:$0x3FB6] =	sst s9;
	s0 =	simm.s32 @!p0 $0x0  }
0x12: {  	s1 =	sld [smem:$0x3F9C];
	s0 =	simm.s32 @p0 $0x1  }
0x13: {  	[smem:$0x3FB7] =	sst s0;
	s0 =	simm.s32 @!p1 $0x0  }
0x14: {  	s2 =	sld [smem:$0x3F9B];
	s0 =	simm.s32 @p1 $0x1  }
0x15: {  	[smem:$0x3FB8] =	sst s0;
	s0 =	simm.s32 @!p2 $0x0  }
0x16: {  	s3 =	sld [smem:$0x3FDB];
	s0 =	simm.s32 @p2 $0x1  }
0x17: {  	s4 =	simm.s32 $0x1BF5;
	[smem:$0x3FBA] =	sst s0  }
0x18: {  	s0 =	sld [smem:$0x3F9D];
	_ =	swait.ge [sflag:s4], $0x0  }
0x19: {  	s7 =	sld [smem:$0x3F9E]  }
0x1a: {  	s8 =	sadd.s32 $0xFFFFE003, lr  }
0x1b: {  	s9 =	sadd.s32 $0xFFFFFEF7, lr;
	s5 =	simm.s32 $0xFFFFFFFF;
	p2 =	slt.u32 s8, $0xFFFFF086  }
0x1c: {  	p1 =	slt.u32 s9, $0xF7A;
	s5 =	simm.s32 @!p2 $0x0  }
0x1d: {  	s5 =	simm.s32 @p1 $0x1;
	p0 =	seq.s32 s7, s2  }
0x1e: {  	s7 =	smul.u32 @!p0 $0xF7A, s2;
	p2 =	seq.s32 @!p0 s5, $0x0  }
0x1f: {  	s9 =	smul.u32 $0xF7A, s1;
	s8 =	simm.s32 @!p0 $0x1BF5;
	p2 =	por !p2, p0  }
0x20: {  	[sflag:s8] =	ssyncset.s32 @!p0 $0xFFFFF086;
	s6 =	sadd.s32 @!p0 s3, s7;
	s7 =	simm.s32 @!p0 $0x108  }
0x21: {  	s3 =	sadd.s32 s3, s9;
	s6 =	sadd.s32 @!p0 $0x88, s6;
	s7 =	simm.s32 @p2 $0x1082  }
0x22: {  	[simem:s7], [sflag:s8] =	dma.local @!p0 [hbm:s6], $0xF7A  }
0x23: {  	s9 =	sor.u32 $0xD0000000, s2;
	s6 =	simm.s32 $0x108;
	_ =	swait.ge @!p0 [sflag:s8], $0x0  }
0x24: {  	s3 =	sadd.s32 $0x88, s3;
	s6 =	simm.s32 @!p1 $0x1082;
	[sflag:s4] =	ssyncset.s32 $0xFFFFF086  }
0x25: {  	[simem:s6], [sflag:s4] =	dma.local [hbm:s3], $0xF7A  }
0x26: {  	[smem:$0x3F9E] =	sst s1;
	(tag) =	ssettag s2;
	_ =	strace s9  }
0x27: {  	s1 =	sld [smem:$0x3FAE]  }
0x28: {  	s2 =	sld [smem:$0x3FAF]  }
0x29: {  	s4 =	sld [smem:$0x3FB1]  }
0x2a: {  	p0 =	seq.s32 s5, $0x0;
	s5 =	sld [smem:$0x3FB2]  }
0x2b: {  	s6 =	sld [smem:$0x3FB3]  }
0x2c: {  	s7 =	sld [smem:$0x3FB4]  }
0x2d: {  	s3 =	simm.s32 $0x108;
	s8 =	sld [smem:$0x3FB5]  }
0x2e: {  	s3 =	simm.s32 @!p0 $0x1082;
	s9 =	sld [smem:$0x3FB6]  }
0x2f: {  	lr =	sadd.s32 s0, s3;
	s0 =	sld [smem:$0x3FAD]  }
0x30: {  	s3 =	sld [smem:$0x3FB0]  }
0x31: {  	[smem:$0x3FB9] =	sst s10  }
0x32: {  	s10 =	sld [smem:$0x3FB7];
	_ =	sdelay $0x3  }
0x33: {  	p0 =	seq.s32 s10, $0x1;
	s10 =	sld [smem:$0x3FB9];
	_ =	sdelay $0x3  }
0x34: {  	[smem:$0x3FB9] =	sst s10  }
0x35: {  	s10 =	sld [smem:$0x3FB8];
	_ =	sdelay $0x3  }
0x36: {  	p1 =	seq.s32 s10, $0x1;
	s10 =	sld [smem:$0x3FB9];
	_ =	sdelay $0x3  }
0x37: {  	[smem:$0x3FB9] =	sst s10  }
0x38: {  	s10 =	sld [smem:$0x3FBA]  }
0x39: {  	_ = 	snop;
	(pc) =	sbr.ind lr, $3  }
0x3a: {  	_ = 	snop  }
0x3b: {  	_ = 	snop  }
0x3c: {  	p2 =	seq.s32 s10, $0x1;
	s10 =	sld [smem:$0x3FB9]  }
0x3d: {  	_ =	shalt  }
0x3e: {  	_ =	shalt  }
0x3f: {  	_ =	shalt  }
0x40: {  	_ =	shalt  }
0x41: {  	_ =	shalt  }
0x42: {  	_ =	shalt  }
0x43: {  	_ =	shalt  }
0x44: {  	_ =	shalt  }
0x45: {  	_ =	shalt  }
0x46: {  	_ =	shalt  }
0x47: {  	_ =	shalt  }
0x48: {  	_ =	shalt  }
0x49: {  	_ =	shalt  }
0x4a: {  	_ =	shalt  }
0x4b: {  	_ =	shalt  }
0x4c: {  	_ =	shalt  }
0x4d: {  	_ =	shalt  }
0x4e: {  	_ =	shalt  }
0x4f: {  	_ =	shalt  }
0x50: {  	_ =	shalt  }
0x51: {  	_ =	shalt  }
0x52: {  	_ =	shalt  }
0x53: {  	_ =	shalt  }
0x54: {  	_ =	shalt  }
0x55: {  	_ =	shalt  }
0x56: {  	_ =	shalt  }
0x57: {  	_ =	shalt  }
0x58: {  	_ =	shalt  }
0x59: {  	_ =	shalt  }
0x5a: {  	_ =	shalt  }
0x5b: {  	_ =	shalt  }
0x5c: {  	_ =	shalt  }
0x5d: {  	_ =	shalt  }
0x5e: {  	_ =	shalt  }
0x5f: {  	_ =	shalt  }
0x60: {  	_ =	shalt  }
0x61: {  	_ =	shalt  }
0x62: {  	_ =	shalt  }
0x63: {  	_ =	shalt  }
0x64: {  	_ =	shalt  }
0x65: {  	_ =	shalt  }
0x66: {  	_ =	shalt  }
0x67: {  	_ =	shalt  }
0x68: {  	_ =	shalt  }
0x69: {  	_ =	shalt  }
0x6a: {  	_ =	shalt  }
0x6b: {  	_ =	shalt  }
0x6c: {  	_ =	shalt  }
0x6d: {  	_ =	shalt  }
0x6e: {  	_ =	shalt  }
0x6f: {  	_ =	shalt  }
0x70: {  	_ =	shalt  }
0x71: {  	_ =	shalt  }
0x72: {  	_ =	shalt  }
0x73: {  	_ =	shalt  }
0x74: {  	_ =	shalt  }
0x75: {  	_ =	shalt  }
0x76: {  	_ =	shalt  }
0x77: {  	_ =	shalt  }
0x78: {  	_ =	shalt  }
0x79: {  	_ =	shalt  }
0x7a: {  	_ =	shalt  }
0x7b: {  	_ =	shalt  }
0x7c: {  	_ =	shalt  }
0x7d: {  	_ =	shalt  }
0x7e: {  	_ =	shalt  }
0x7f: {  	_ =	shalt  }
0x80: {  	_ =	shalt  }
0x81: {  	_ =	shalt  }
0x82: {  	_ =	shalt  }
0x83: {  	_ =	shalt  }
0x84: {  	_ =	shalt  }
0x85: {  	_ =	shalt  }
0x86: {  	_ =	shalt  }
0x87: {  	_ =	shalt  }
.Lfunc_end0:
.L_simem_size_0:
called_computation_lowered:
.L_overlay_start_0:
0x88: {  	s2 =	sld [smem:$0x3FD9]  }
0x89: {  	s3 =	sld [smem:$0x3FFE];
	_ =	sdelay $0x1  }
0x8a: {  	s1 =	srdreg.scid  }
0x8b: {  	s0 =	sand.u32 $0x1, s1  }
0x8c: {  	s17 =	sshll.u32 s0, $0xA;
	s2 =	sadd.s32 s3, s2  }
0x8d: {  	s2 =	sadd.s32 s2, s17  }
0x8e: {  	[smem:$0x3FC5] =	sst s2  }
0x8f: {  	_ = 	snop  }
0x90: {  	s2 =	sld [smem:$0x3FC9]  }
0x91: {  	s18 =	sld [smem:$0x3FD0];
	(tm) =	ssettm $0x1  }
0x92: {  	s4 =	sld [smem:$0x3FFB];
	_ =	sdelay $0x3  }
0x93: {  	_ =	strace s4  }
0x94: {  	s4 =	sld [smem:$0x3FFC];
	_ =	sdelay $0x3  }
0x95: {  	_ =	strace s4  }
0x96: {  	s4 =	sld [smem:$0x3FFD];
	_ =	sdelay $0x3  }
0x97: {  	_ =	strace s4  }
0x98: {  	_ =	strace $0x8FFFFFFF  }
0x99: {  	s19 =	sld [smem:$0x3FDB];
	_ =	sdelay $0x1  }
0x9a: {  	s5 =	simm.s32 $_scs_section_size  }
0x9b: {  	s6 =	simm.s32 $_size__tile_overlayer_lowered;
	s7 =	simm.s32 $_tile_overlayer_lowered  }
0x9c: {  	s22 =	simm.s32 $0x1BFF;
	s21 =	sshll.u32 s7, $0x1;
	s4 =	sadd.s32 s5, s19  }
0x9d: {  	s8 =	simm.s32 $0x0;
	s20 =	sshll.u32 s6, $0x1;
	s6 =	sadd.s32 s21, s4  }
0x9e: {  	[timem:s8], [sflag:s22] =	dma.local [hbm:s6], s20  }
0x9f: {  	_ =	swait.ge [sflag:s22], s20  }
0xa0: {  	s5 =	ssub.s32 $0x0, s20;
	[sflag:s22] =	ssyncset.done $0x0  }
0xa1: {  	[sflag:s22] =	ssyncadd.s32 s5;
	_ =	sdelay $0x1  }
0xa2: {  	s23 =	simm.s32 $0x1B8B  }
0xa3: {  	_ =	swait.ge [sflag:s23], $0x1  }
0xa4: {  	[sflag:s23] =	ssyncset.done $0x0  }
0xa5: {  	s25 =	simm.s32 $0x1B8E;
	s24 =	sld [smem:$0x3FFE];
	[sflag:s23] =	ssyncadd.s32 $0xFFFFFFFF  }
0xa6: {  	s26 =	simm.s32 $execute0_lowered;
	[smem:$0x3FD2] =	sst s25  }
0xa7: {  	s6 =	sshll.u32 s26, $0x1;
	_ =	strace $0x80000046;
	[dreg:$0x1] =	wrdreg $0xFFFFFFFF  }
0xa8: {  	s28 =	simm.s32 $_size_execute0_lowered;
	s4 =	sadd.s32 s4, s6;
	[dreg:$0x0] =	wrdreg $0x0  }
0xa9: {  	s6 =	sshll.u32 s28, $0x1;
	[dreg:$0x2] =	wrdreg s4  }
0xaa: {  	[dreg:$0x3] =	wrdreg s6  }
0xab: {  	[dreg:$0x4] =	wrdreg $0xC0  }
0xac: {  	_ =	task [dreg:s8], $0x5FFFF  }
0xad: {  	[dreg:$0x1] =	wrdreg $0xFFFFFFFF  }
0xae: {  	[dreg:$0x0] =	wrdreg $0x60  }
0xaf: {  	[dreg:$0x2] =	wrdreg s2  }
0xb0: {  	[dreg:$0x3] =	wrdreg s24  }
0xb1: {  	[dreg:$0x4] =	wrdreg s18  }
0xb2: {  	[dreg:$0x5] =	wrdreg $0x9  }
0xb3: {  	_ =	task.clear_ibuf [dreg:s8], $0x6FFFF;
	_ =	strace $0x90000046  }
0xb4: {  	s29 =	simm.s32 $0x9;
	_ =	strace $0x80000048  }
0xb5: {  	_ =	swait.ge [sflag:s29], $0x1  }
0xb6: {  	[sflag:s29] =	ssyncadd.s32 $0xFFFFFFFF  }
0xb7: {  	_ =	strace $0x90000048  }
0xb8: {  	_ =	sfence  }
0xb9: {  	s30 =	sld [smem:$0x0];
	_ =	sdelay $0x2  }
0xba: {  	s31 =	sshll.u32 s1, $0xD;
	s1 =	sshrl.u32 s1, $0x2  }
0xbb: {  	s3 =	sand.u32 $0x4000, s31;
	s1 =	sadd.s32 s1, s30  }
0xbc: {  	s0 =	sor.u32 s3, s0;
	s1 =	sshll.u32 s1, $0x11  }
0xbd: {  	s0 =	sor.u32 s1, s0  }
0xbe: {  	s0 =	sadd.s32 $0x8F2B, s0  }
0xbf: {  	[sflag:s0] =	ssyncadd.remote.s32 $0x1  }
0xc0: {  	_ =	sfence.sel $0xFFFF  }
0xc1: {  	[dreg:$0x0] =	wrdreg $0xFFFFFFFF;
	(pc) =	sbr.abs _section_cstart, $3  }
0xc2: {  	[dreg:$0x1] =	wrdreg $0xFFFFFFFF  }
0xc3: {  	_ =	task.clear_ibuf [dreg:s8], $0x2FFFF;
	_ =	strace $0x9FFFFFFF  }
0xc4: {  	(tm) =	ssettm $0x7FFFFFFF  }
0xc5: {  	_ =	shalt  }
tec
execute0_lowered:
.L_overlay_start_1:
0x0: {  	(tag) =	ssettag $0x1  }
0x1: {  	s1 =	rddreg [dreg:$0x0]  }
0x2: {  	s0 =	rddreg [dreg:$0x1]  }
0x3: {  	s3 =	rddreg [dreg:$0x2]  }
0x4: {  	s2 =	srdreg.scid;
	s5 =	stileid.u32  }
0x5: {  	s4 =	simm.s32 $0x0;
	s16 =	simm.s32 $0x1000;
	s17 =	simm.s32 $0x1  }
0x6: {  	s18 =	simm.s32 $0x2;
	s19 =	simm.s32 $0x4;
	s21 =	simm.s32 $0x0  }
0x7: {  	s2 =	sand.u32 $0x1, s2;
	s5 =	sshll.u32 s5, $0x14;
	[smem:$0x7FF] =	sst s4  }
0x8: {  	s7 =	sadd.s32 $0x400, s0;
	s0 =	sadd.s32 $0x410, s0;
	s6 =	sshll.u32 s2, $0x13  }
.Ltmp0:
0x9: {  	_ =	strace $0x80000047;
	s2 =	ssub.s32 $0x2, s2;
	(pc) =	sbr.rel .LBB2_1-.Ltmp0, $4  }
0xa: {  	[dreg:$0x4] =	wrdreg s7;
	s5 =	sor.u32 s6, s5;
	s8 =	sshrl.u32 s2, $0x1  }
0xb: {  	[dreg:$0x5] =	wrdreg s0;
	s6 =	sshrl.u32 s5, $0x3;
	s2 =	ssub.s32 s2, s8  }
0xc: {  	s10 =	sor.u32 $0x8000, s5;
	s7 =	sadd.s32 s1, s6;
	s31 =	smax.u32 s2, $0x1  }
0xd: {  	v0 =	vlaneseq.u32;
	s11 =	sor.u32 $0xC000, s5;
	s9 =	sadd.s32 $0x800, s7;
	[dreg:$0x6] =	wrdreg s31  }
.LBB2_24:
0xe: {  	s0 =	simm.s32 $0x3  }
0xf: {  	_ =	swait.ge [sflag:s0], $0x4000  }
0x10: {  	[sflag:s0] =	ssyncset.done $0x0  }
0x11: {  	[sflag:s0] =	ssyncadd.s32 $0xFFFFC000  }
0x12: {  	_ =	swait.ge [sflag:s19], $0x4000  }
0x13: {  	s21 =	sadd.s32 $0x1, s21;
	s31 =	rddreg [dreg:$0x6]  }
0x14: {  	p0 =	sne.s32 s21, s31  }
.Ltmp1:
0x15: {  	_ = 	snop;
	(pc) =	sbr.rel @!p0 .LBB2_25-.Ltmp1, $3  }
0x16: {  	_ =	sdelay $0x1  }
0x17: {  	[sflag:s19] =	ssyncset.done $0x0  }
0x18: {  	[sflag:s19] =	ssyncadd.s32 $0xFFFFC000  }
.LBB2_1:
0x19: {  	s0 =	rddreg [dreg:$0x4]  }
0x1a: {  	s2 =	simm.s32 $0x80;
	s6 =	simm.s32 $0x100;
	s8 =	simm.s32 $0x5  }
0x1b: {  	[tilespmem:s4], [sflag:$0x5] =	stream.strided.gather [hbm4b:s0+s2], $0x1000, s6, s2, $0x38;
	[tilespmem:$0x12000] =	vst v63  }
0x1c: {  	_ =	swait.ge [sflag:s8], $0x1000  }
0x1d: {  	[sflag:s8] =	ssyncset.done $0x0  }
0x1e: {  	s31 =	rddreg [dreg:$0x5];
	[sflag:s8] =	ssyncadd.s32 $0xFFFFF000  }
0x1f: {  	[tilespmem:s16], [sflag:$0x5] =	stream.strided.gather [hbm4b:s31+s2], $0x1000, s6, s2, $0x38;
	[tilespmem:$0x12000] =	vst v63  }
0x20: {  	_ =	swait.ge [sflag:s8], $0x1000  }
0x21: {  	s0 =	simm.s32 $0x2000;
	s2 =	simm.s32 $0x10;
	[sflag:s8] =	ssyncset.done $0x0  }
0x22: {  	s6 =	simm.s32 $0x2100;
	[sflag:s8] =	ssyncadd.s32 $0xFFFFF000;
	s8 =	sadd.s32 $0x0, s7  }
.LBB2_2:
0x23: {  	[tilespmem:s0], [sflag:$0x1] =	stream.linear.gather [hbm4b:s8+s4], $0x80, $0x38;
	[tilespmem:$0x12000] =	vst v63  }
0x24: {  	s8 =	smov.u32 s2;
	s0 =	smov.u32 s6;
	p0 =	sne.s32 s2, $0x7F0  }
.Ltmp2:
0x25: {  	s2 =	sadd.s32 $0x10, s2;
	(pc) =	sbr.rel @p0 .LBB2_2-.Ltmp2, $2  }
0x26: {  	_ =	sdelay $0x2  }
0x27: {  	s6 =	sadd.s32 $0x100, s6;
	s8 =	sadd.s32 s8, s7  }
0x28: {  	[tilespmem:s0], [sflag:$0x1] =	stream.linear.gather [hbm4b:s8+s4], $0x80, $0x38;
	[tilespmem:$0x12000] =	vst v63  }
0x29: {  	s22 =	simm.s32 $0x0;
	s0 =	simm.s32 $0x2080  }
0x2a: {  	s2 =	simm.s32 $0x10;
	s8 =	sadd.s32 $0x0, s9;
	s6 =	simm.s32 $0x2180  }
.LBB2_4:
0x2b: {  	[tilespmem:s0], [sflag:$0x2] =	stream.linear.gather [hbm4b:s8+s22], $0x80, $0x38;
	[tilespmem:$0x12000] =	vst v63  }
0x2c: {  	s8 =	smov.u32 s2;
	s0 =	smov.u32 s6;
	p0 =	sne.s32 s2, $0x7F0  }
.Ltmp3:
0x2d: {  	s2 =	sadd.s32 $0x10, s2;
	(pc) =	sbr.rel @p0 .LBB2_4-.Ltmp3, $2  }
0x2e: {  	_ =	sdelay $0x2  }
0x2f: {  	s6 =	sadd.s32 $0x100, s6;
	s8 =	sadd.s32 s8, s9  }
0x30: {  	[tilespmem:s0], [sflag:$0x2] =	stream.linear.gather [hbm4b:s8+s22], $0x80, $0x38;
	[tilespmem:$0x12000] =	vst v63  }
.LBB2_6:
0x31: {  	_ =	swait.ge [sflag:s17], $0x4000  }
0x32: {  	p0 =	seq.s32 s22, $0x0;
	[sflag:s17] =	ssyncset.done $0x0  }
0x33: {  	s0 =	simm.s32 @!p0 $0x3;
	[sflag:s17] =	ssyncadd.s32 $0xFFFFC000  }
0x34: {  	s2 =	simm.s32 $0x0;
	_ =	swait.ge @!p0 [sflag:s0], $0x4000  }
0x35: {  	s6 =	sand.u32 $0x40, s2;
	s2 =	sand.u32 $0x7F00, s2;
	[sflag:s0] =	ssyncset.done @!p0 $0x0  }
0x36: {  	s24 =	sor.u32 s6, s2;
	[sflag:s0] =	ssyncadd.s32 @!p0 $0xFFFFC000  }
0x37: {  	v8 =	vld [tilespmem:s24+$0x2030];
	_ =	sdelay $0x1  }
0x38: {  	v9 =	vld [tilespmem:s24+$0x2000]  }
0x39: {  	v10 =	vld [tilespmem:s24+$0x2010]  }
0x3a: {  	v15 =	vld [tilespmem:s24+$0x2020]  }
0x3b: {  	v1 =	vmul.f32 $4.096000000e+03, v8;
	_ =	sdelay $0x1  }
0x3c: {  	v2 =	vmul.f32 $4.096000000e+03, v9;
	v1 =	vtrunc.f32 v1  }
0x3d: {  	s28 =	simm.s32 $0x80;
	s29 =	simm.s32 $0x40;
	v3 =	vmul.f32 $4.096000000e+03, v10;
	v1 =	vcvt.f32.s32 v1  }
0x3e: {  	s2 =	sand.u32 $0x40, s29;
	s0 =	sand.u32 $0x7F00, s28;
	v4 =	vmul.f32 $4.096000000e+03, v15;
	v2 =	vtrunc.f32 v2  }
0x3f: {  	s25 =	sor.u32 s2, s0;
	v3 =	vtrunc.f32 v3;
	v5 =	vcvt.f32.s32 v2;
	v1 =	vand.u32 $0xFFFFFFF0, v1  }
0x40: {  	v4 =	vtrunc.f32 v4;
	v3 =	vcvt.f32.s32 v3;
	v2 =	vld [tilespmem:s25+$0x2030];
	v6 =	vor.u32 v0, v1  }
0x41: {  	v7 =	vcvt.f32.s32 v4;
	v4 =	vand.u32 $0xFFFFFFF0, v5;
	v1 =	vld [tilespmem:s25+$0x2000]  }
0x42: {  	v3 =	vand.u32 $0xFFFFFFF0, v3;
	v5 =	vor.u32 v0, v4;
	v4 =	vld [tilespmem:s25+$0x2010]  }
0x43: {  	v11 =	vor.u32 v0, v3;
	v3 =	vld [tilespmem:s25+$0x2020]  }
0x44: {  	v7 =	vand.u32 $0xFFFFFFF0, v7  }
0x45: {  	v13 =	vor.u32 v0, v7;
	v7 =	vmul.f32 $4.096000000e+03, v2;
	v14 =	vld.idx.msk [tilespmem:v6+s4+$0x0], $0xffff  }
0x46: {  	v16 =	vld.idx.msk [tilespmem:v6+s16+$0x0], $0xffff  }
0x47: {  	v6 =	vtrunc.f32 v7;
	v17 =	vld.idx.msk [tilespmem:v5+s4+$0x0], $0xffff;
	v7 =	vmul.f32 $4.096000000e+03, v1  }
0x48: {  	v18 =	vld.idx.msk [tilespmem:v11+s4+$0x0], $0xffff;
	v12 =	vmul.f32 $4.096000000e+03, v4;
	v20 =	vmul.f32 $4.096000000e+03, v3  }
0x49: {  	s30 =	simm.s32 $0x100;
	s31 =	simm.s32 $0x80;
	v21 =	vld.idx.msk [tilespmem:v5+s16+$0x0], $0xffff;
	v6 =	vcvt.f32.s32 v6;
	v7 =	vtrunc.f32 v7  }
0x4a: {  	s2 =	sand.u32 $0x40, s31;
	s0 =	sand.u32 $0x7F00, s30;
	v23 =	vld.idx.msk [tilespmem:v11+s16+$0x0], $0xffff;
	v5 =	vtrunc.f32 v12;
	v11 =	vtrunc.f32 v20  }
0x4b: {  	s0 =	sor.u32 s2, s0;
	v19 =	vld.idx.msk [tilespmem:v13+s4+$0x0], $0xffff;
	v6 =	vand.u32 $0xFFFFFFF0, v6;
	v7 =	vcvt.f32.s32 v7;
	v12 =	vcvt.f32.s32 v5  }
0x4c: {  	v20 =	vcvt.f32.s32 v11;
	v22 =	vor.u32 v0, v6;
	v6 =	vld [tilespmem:s0+$0x2030]  }
0x4d: {  	v5 =	vld [tilespmem:s0+$0x2000];
	v11 =	vand.u32 $0xFFFFFFF0, v7;
	v24 =	vand.u32 $0xFFFFFFF0, v12  }
0x4e: {  	v7 =	vld [tilespmem:s0+$0x2010];
	v25 =	vmul.f32 v14, v8;
	v14 =	vand.u32 $0xFFFFFFF0, v20;
	v12 =	vor.u32 v0, v11  }
0x4f: {  	v8 =	vld [tilespmem:s0+$0x2020];
	v17 =	vmul.f32 v17, v9;
	v9 =	vor.u32 v0, v14  }
0x50: {  	v13 =	vld.idx.msk [tilespmem:v13+s16+$0x0], $0xffff;
	v18 =	vmul.f32 v18, v10;
	v11 =	vor.u32 v0, v24;
	v16 =	vadd.f32 v16, v25  }
0x51: {  	v10 =	vmul.f32 v19, v15;
	v19 =	vadd.f32 v21, v17;
	v14 =	vld.idx.msk [tilespmem:v22+s4+$0x0], $0xffff;
	v20 =	vmul.f32 $4.096000000e+03, v6  }
0x52: {  	v18 =	vadd.f32 v23, v18;
	v63 =	vmul.f32 $4.096000000e+03, v5;
	v15 =	vld.idx.msk [tilespmem:v22+s16+$0x0], $0xffff;
	[tilespmem:s24+$0xA030] =	vst v16  }
0x53: {  	[tilespmem:s24+$0xA000] =	vst v19;
	v23 =	vmul.f32 $4.096000000e+03, v7;
	v16 =	vtrunc.f32 v20;
	v17 =	vld.idx.msk [tilespmem:v12+s4+$0x0], $0xffff  }
0x54: {  	s23 =	sshll.u32 s22, $0xF;
	s8 =	simm.s32 $0x180;
	[tilespmem:s24+$0xA010] =	vst v18;
	v19 =	vmul.f32 $4.096000000e+03, v8;
	v18 =	vld.idx.msk [tilespmem:v9+s4+$0x0], $0xffff;
	v21 =	vcvt.f32.s32 v16  }
0x55: {  	s13 =	simm.s32 $0xC0;
	s6 =	simm.s32 $0x8;
	s2 =	sor.u32 s5, s23;
	v22 =	vtrunc.f32 v63;
	v16 =	vld.idx.msk [tilespmem:v11+s4+$0x0], $0xffff;
	v20 =	vtrunc.f32 v23  }
.LBB2_7:
0x56: {  	s14 =	sand.u32 $0x40, s13;
	s26 =	sand.u32 $0x7F00, s8;
	s6 =	sadd.s32 $0x4, s6;
	v19 =	vtrunc.f32 v19;
	v21 =	vand.u32 $0xFFFFFFF0, v21;
	v23 =	vld.idx.msk [tilespmem:v12+s16+$0x0], $0xffff;
	v12 =	vmul.f32 v14, v2;
	v2 =	vmovc v6  }
0x57: {  	v14 =	vcvt.f32.s32 v22;
	v20 =	vcvt.f32.s32 v20;
	s14 =	sor.u32 s14, s26;
	p1 =	slt.u32 s6, $0x3FC;
	v21 =	vor.u32 v0, v21;
	v22 =	vld.idx.msk [tilespmem:v11+s16+$0x0], $0xffff  }
0x58: {  	v13 =	vadd.f32 v13, v10;
	v19 =	vcvt.f32.s32 v19;
	v6 =	vld [tilespmem:s14+$0x2030];
	v15 =	vadd.f32 v15, v12  }
0x59: {  	v10 =	vand.u32 $0xFFFFFFF0, v14;
	v11 =	vand.u32 $0xFFFFFFF0, v20;
	v17 =	vmul.f32 v17, v1;
	v1 =	vmovc v5;
	v5 =	vld [tilespmem:s14+$0x2000]  }
0x5a: {  	v12 =	vor.u32 v0, v10;
	v11 =	vor.u32 v0, v11;
	v10 =	vand.u32 $0xFFFFFFF0, v19;
	v20 =	vld [tilespmem:s14+$0x2010];
	[tilespmem:s25+$0xA030] =	vst v15  }
0x5b: {  	v25 =	vor.u32 v0, v10;
	v15 =	vmul.f32 v16, v4;
	v10 =	vmul.f32 v18, v3;
	v24 =	vld [tilespmem:s14+$0x2020];
	[tilespmem:s24+$0xA020] =	vst v13;
	s24 =	smov.u32 s25;
	s25 =	smov.u32 s0;
	s0 =	smov.u32 s14  }
0x5c: {  	v4 =	vmov v7;
	v3 =	vmov v8;
	v16 =	vadd.f32 v23, v17;
	v14 =	vld.idx.msk [tilespmem:v21+s4+$0x0], $0xffff  }
.Ltmp4:
0x5d: {  	v22 =	vadd.f32 v22, v15;
	v19 =	vmul.f32 $4.096000000e+03, v6;
	v13 =	vld.idx.msk [tilespmem:v9+s16+$0x0], $0xffff;
	v9 =	vmov v25;
	(pc) =	sbr.rel @p1 .LBB2_7-.Ltmp4, $4  }
0x5e: {  	v18 =	vmul.f32 $4.096000000e+03, v5;
	v15 =	vld.idx.msk [tilespmem:v21+s16+$0x0], $0xffff;
	[tilespmem:s24+$0xA000] =	vst v16  }
0x5f: {  	v23 =	vmul.f32 $4.096000000e+03, v20;
	v16 =	vtrunc.f32 v19;
	v17 =	vld.idx.msk [tilespmem:v12+s4+$0x0], $0xffff;
	[tilespmem:s24+$0xA010] =	vst v22;
	v7 =	vmov v20  }
0x60: {  	v19 =	vmul.f32 $4.096000000e+03, v24;
	v21 =	vcvt.f32.s32 v16;
	v16 =	vld.idx.msk [tilespmem:v11+s4+$0x0], $0xffff;
	v8 =	vmov v24  }
0x61: {  	s8 =	sadd.s32 $0x80, s8;
	s13 =	sadd.s32 $0x40, s13;
	v22 =	vtrunc.f32 v18;
	v20 =	vtrunc.f32 v23;
	v18 =	vld.idx.msk [tilespmem:v25+s4+$0x0], $0xffff  }
0x62: {  	_ = 	snop  }
0x63: {  	v21 =	vand.u32 $0xFFFFFFF0, v21;
	v22 =	vcvt.f32.s32 v22  }
0x64: {  	v20 =	vcvt.f32.s32 v20;
	v21 =	vor.u32 v0, v21  }
0x65: {  	v19 =	vtrunc.f32 v19;
	v22 =	vand.u32 $0xFFFFFFF0, v22  }
0x66: {  	v12 =	vld.idx.msk [tilespmem:v12+s16+$0x0], $0xffff;
	v19 =	vcvt.f32.s32 v19;
	v20 =	vand.u32 $0xFFFFFFF0, v20;
	v22 =	vor.u32 v0, v22  }
0x67: {  	v11 =	vld.idx.msk [tilespmem:v11+s16+$0x0], $0xffff;
	v20 =	vor.u32 v0, v20  }
0x68: {  	v9 =	vld.idx.msk [tilespmem:v9+s16+$0x0], $0xffff;
	v19 =	vand.u32 $0xFFFFFFF0, v19  }
0x69: {  	v19 =	vor.u32 v0, v19;
	v23 =	vld.idx.msk [tilespmem:v21+s4+$0x0], $0xffff  }
0x6a: {  	v21 =	vld.idx.msk [tilespmem:v21+s16+$0x0], $0xffff  }
0x6b: {  	v2 =	vmul.f32 v14, v2;
	v58 =	vld.idx.msk [tilespmem:v22+s4+$0x0], $0xffff  }
0x6c: {  	v24 =	vld.idx.msk [tilespmem:v20+s4+$0x0], $0xffff  }
0x6d: {  	v2 =	vadd.f32 v15, v2;
	v1 =	vmul.f32 v17, v1;
	v60 =	vld.idx.msk [tilespmem:v22+s16+$0x0], $0xffff  }
0x6e: {  	v10 =	vadd.f32 v13, v10;
	v4 =	vmul.f32 v16, v4;
	v59 =	vld.idx.msk [tilespmem:v19+s4+$0x0], $0xffff  }
0x6f: {  	[tilespmem:s25+$0xA030] =	vst v2;
	v1 =	vadd.f32 v12, v1;
	v61 =	vld.idx.msk [tilespmem:v20+s16+$0x0], $0xffff;
	v2 =	vmul.f32 v23, v6  }
0x70: {  	[tilespmem:s24+$0xA020] =	vst v10;
	v3 =	vmul.f32 v18, v3;
	v4 =	vadd.f32 v11, v4;
	v62 =	vld.idx.msk [tilespmem:v19+s16+$0x0], $0xffff  }
0x71: {  	[tilespmem:s25+$0xA000] =	vst v1;
	v1 =	vadd.f32 v21, v2;
	v2 =	vmul.f32 v58, v5  }
0x72: {  	v3 =	vadd.f32 v9, v3;
	[tilespmem:s25+$0xA010] =	vst v4;
	v63 =	vmul.f32 v24, v7  }
0x73: {  	[tilespmem:s0+$0xA030] =	vst v1;
	v1 =	vmul.f32 v59, v8;
	v2 =	vadd.f32 v60, v2  }
0x74: {  	[tilespmem:s25+$0xA020] =	vst v3;
	v3 =	vadd.f32 v61, v63  }
0x75: {  	s24 =	sshrl.u32 s2, $0x3;
	[tilespmem:s0+$0xA000] =	vst v2;
	v1 =	vadd.f32 v62, v1  }
0x76: {  	s6 =	simm.s32 $0xA000;
	s2 =	sadd.s32 s3, s24;
	[tilespmem:s0+$0xA010] =	vst v3  }
0x77: {  	s8 =	simm.s32 $0xA100;
	s13 =	sadd.s32 $0x0, s2;
	[tilespmem:s0+$0xA020] =	vst v1;
	s0 =	simm.s32 $0x10  }
.LBB2_9:
0x78: {  	[hbm4b:s13+s4] =	stream.linear.scatter [tilespmem:s6], [sflag:$0x3], $0x80, $0x38;
	[tilespmem:$0x12000] =	vst v63  }
0x79: {  	s13 =	smov.u32 s0;
	s6 =	smov.u32 s8;
	p1 =	sne.s32 s0, $0x7F0  }
.Ltmp5:
0x7a: {  	s0 =	sadd.s32 $0x10, s0;
	(pc) =	sbr.rel @p1 .LBB2_9-.Ltmp5, $2  }
0x7b: {  	_ =	sdelay $0x2  }
0x7c: {  	s8 =	sadd.s32 $0x100, s8;
	s13 =	sadd.s32 s13, s2  }
0x7d: {  	p1 =	sne.s32 s22, $0xF  }
.Ltmp6:
0x7e: {  	_ = 	snop;
	(pc) =	sbr.rel @p1 .LBB2_12-.Ltmp6, $2  }
0x7f: {  	_ =	sdelay $0x2  }
0x80: {  	[hbm4b:s13+s4] =	stream.linear.scatter [tilespmem:s6], [sflag:$0x3], $0x80, $0x38;
	[tilespmem:$0x12000] =	vst v63  }
.Ltmp7:
0x81: {  	(pc) =	sbr.rel .LBB2_15-.Ltmp7, $4  }
0x82: {  	_ = 	snop  }
0x83: {  	_ =	swait.ge [sflag:s18], $0x4000  }
0x84: {  	[sflag:s18] =	ssyncset.done $0x0  }
0x85: {  	[sflag:s18] =	ssyncadd.s32 $0xFFFFC000  }
.LBB2_12:
0x86: {  	s0 =	sadd.s32 s23, s10  }
0x87: {  	s0 =	sshrl.u32 s0, $0x3  }
0x88: {  	s2 =	simm.s32 $0x2000;
	s0 =	sadd.s32 s1, s0  }
0x89: {  	s6 =	simm.s32 $0x10;
	s8 =	simm.s32 $0x2100;
	s13 =	sadd.s32 $0x0, s0  }
.LBB2_13:
0x8a: {  	[tilespmem:s2], [sflag:$0x1] =	stream.linear.gather [hbm4b:s13+s4], $0x80, $0x38;
	[tilespmem:$0x12000] =	vst v63  }
0x8b: {  	s13 =	smov.u32 s6;
	s2 =	smov.u32 s8;
	p1 =	sne.s32 s6, $0x7F0  }
.Ltmp8:
0x8c: {  	s6 =	sadd.s32 $0x10, s6;
	(pc) =	sbr.rel @p1 .LBB2_13-.Ltmp8, $2  }
0x8d: {  	_ =	sdelay $0x2  }
0x8e: {  	s8 =	sadd.s32 $0x100, s8;
	s13 =	sadd.s32 s13, s0  }
.Ltmp9:
0x8f: {  	(pc) =	sbr.rel @p0 .LBB2_16-.Ltmp9, $4  }
0x90: {  	[tilespmem:s2], [sflag:$0x1] =	stream.linear.gather [hbm4b:s13+s4], $0x80, $0x38;
	[tilespmem:$0x12000] =	vst v63  }
0x91: {  	_ =	swait.ge [sflag:s18], $0x4000  }
0x92: {  	[sflag:s18] =	ssyncset.done $0x0  }
0x93: {  	[sflag:s18] =	ssyncadd.s32 $0xFFFFC000  }
.LBB2_15:
0x94: {  	_ =	swait.ge [sflag:s19], $0x4000  }
0x95: {  	[sflag:s19] =	ssyncset.done $0x0  }
0x96: {  	[sflag:s19] =	ssyncadd.s32 $0xFFFFC000  }
.LBB2_16:
0x97: {  	p0 =	por $0x0, $0x0;
	s0 =	simm.s32 $0x1  }
0x98: {  	s0 =	simm.s32 @!p0 $0x0  }
0x99: {  	s0 =	sshll.u32 s0, $0x6  }
0x9a: {  	s0 =	sadd.s32 $0x0, s0  }
0x9b: {  	s8 =	sor.u32 $0xB0, s0  }
0x9c: {  	s6 =	sor.u32 $0x80, s0;
	v5 =	vld [tilespmem:s8+$0x2000]  }
0x9d: {  	s14 =	sor.u32 $0x90, s0;
	v7 =	vld [tilespmem:s6+$0x2000]  }
0x9e: {  	s25 =	sor.u32 $0xA0, s0;
	v8 =	vld [tilespmem:s14+$0x2000]  }
0x9f: {  	v9 =	vld [tilespmem:s25+$0x2000];
	_ =	sdelay $0x1  }
0xa0: {  	v1 =	vmul.f32 $4.096000000e+03, v5  }
0xa1: {  	v2 =	vmul.f32 $4.096000000e+03, v7  }
0xa2: {  	p0 =	por !p0, !p0;
	s0 =	simm.s32 $0x1;
	v3 =	vmul.f32 $4.096000000e+03, v8;
	v1 =	vtrunc.f32 v1  }
0xa3: {  	s0 =	simm.s32 @!p0 $0x0;
	v4 =	vmul.f32 $4.096000000e+03, v9;
	v1 =	vcvt.f32.s32 v1  }
0xa4: {  	s0 =	sshll.u32 s0, $0x6;
	v2 =	vtrunc.f32 v2;
	v3 =	vtrunc.f32 v3  }
0xa5: {  	s0 =	sadd.s32 $0x80, s0;
	v2 =	vcvt.f32.s32 v2;
	v3 =	vcvt.f32.s32 v3;
	v1 =	vand.u32 $0xFFFFFFF0, v1  }
0xa6: {  	s28 =	sor.u32 $0x80, s0;
	v4 =	vtrunc.f32 v4;
	v6 =	vor.u32 v0, v1  }
0xa7: {  	s30 =	sor.u32 $0xB0, s0;
	v10 =	vcvt.f32.s32 v4;
	v4 =	vand.u32 $0xFFFFFFF0, v2;
	v2 =	vld [tilespmem:s28+$0x2000];
	v3 =	vand.u32 $0xFFFFFFF0, v3  }
0xa8: {  	s29 =	sor.u32 $0x90, s0;
	v1 =	vld [tilespmem:s30+$0x2000];
	v12 =	vor.u32 v0, v3  }
0xa9: {  	s26 =	sor.u32 $0xA0, s0;
	v11 =	vor.u32 v0, v4;
	v4 =	vld [tilespmem:s29+$0x2000]  }
0xaa: {  	v3 =	vld [tilespmem:s26+$0x2000]  }
0xab: {  	v10 =	vand.u32 $0xFFFFFFF0, v10;
	v13 =	vld.idx.msk [tilespmem:v6+s4+$0x0], $0xffff  }
0xac: {  	v10 =	vor.u32 v0, v10;
	v16 =	vmul.f32 $4.096000000e+03, v2;
	v15 =	vld.idx.msk [tilespmem:v6+s16+$0x0], $0xffff  }
0xad: {  	v14 =	vmul.f32 $4.096000000e+03, v1;
	v17 =	vld.idx.msk [tilespmem:v12+s4+$0x0], $0xffff  }
0xae: {  	p0 =	por !p0, !p0;
	s0 =	simm.s32 $0x1;
	v19 =	vmul.f32 $4.096000000e+03, v4;
	v20 =	vld.idx.msk [tilespmem:v11+s16+$0x0], $0xffff;
	v16 =	vtrunc.f32 v16  }
0xaf: {  	s0 =	simm.s32 @!p0 $0x0;
	v6 =	vtrunc.f32 v14;
	v14 =	vld.idx.msk [tilespmem:v11+s4+$0x0], $0xffff;
	v11 =	vmul.f32 $4.096000000e+03, v3  }
0xb0: {  	s0 =	sshll.u32 s0, $0x6;
	v16 =	vcvt.f32.s32 v16;
	v6 =	vcvt.f32.s32 v6  }
0xb1: {  	s13 =	sadd.s32 $0x100, s0;
	v18 =	vld.idx.msk [tilespmem:v10+s4+$0x0], $0xffff;
	v19 =	vtrunc.f32 v19  }
0xb2: {  	s31 =	sor.u32 $0xB0, s13;
	v12 =	vld.idx.msk [tilespmem:v12+s16+$0x0], $0xffff;
	v22 =	vtrunc.f32 v11;
	v11 =	vand.u32 $0xFFFFFFF0, v16;
	v6 =	vand.u32 $0xFFFFFFF0, v6  }
0xb3: {  	s0 =	sor.u32 $0x80, s13;
	v13 =	vmul.f32 v13, v5;
	v11 =	vor.u32 v0, v11;
	v21 =	vor.u32 v0, v6;
	v6 =	vld [tilespmem:s31+$0x2000]  }
0xb4: {  	s2 =	sor.u32 $0x90, s13;
	v16 =	vcvt.f32.s32 v19;
	v5 =	vld [tilespmem:s0+$0x2000];
	v17 =	vmul.f32 v17, v8  }
0xb5: {  	s13 =	sor.u32 $0xA0, s13;
	v14 =	vmul.f32 v14, v7;
	v7 =	vld [tilespmem:s2+$0x2000];
	v13 =	vadd.f32 v15, v13;
	v15 =	vcvt.f32.s32 v22  }
0xb6: {  	v8 =	vld [tilespmem:s13+$0x2000];
	v16 =	vand.u32 $0xFFFFFFF0, v16  }
0xb7: {  	v22 =	vadd.f32 v12, v17;
	v12 =	vld.idx.msk [tilespmem:v10+s16+$0x0], $0xffff;
	v15 =	vand.u32 $0xFFFFFFF0, v15;
	[tilespmem:s8+$0xA000] =	vst v13;
	v13 =	vor.u32 v0, v16  }
0xb8: {  	v19 =	vadd.f32 v20, v14;
	v17 =	vor.u32 v0, v15;
	v16 =	vld.idx.msk [tilespmem:v11+s4+$0x0], $0xffff;
	v20 =	vmul.f32 $4.096000000e+03, v6  }
0xb9: {  	v9 =	vmul.f32 v18, v9;
	[tilespmem:s14+$0xA000] =	vst v22;
	v18 =	vmul.f32 $4.096000000e+03, v5;
	v14 =	vld.idx.msk [tilespmem:v21+s4+$0x0], $0xffff  }
0xba: {  	p0 =	por !p0, !p0;
	s8 =	simm.s32 $0x100;
	v15 =	vld.idx.msk [tilespmem:v21+s16+$0x0], $0xffff;
	[tilespmem:s6+$0xA000] =	vst v19;
	s6 =	simm.s32 $0x8;
	v10 =	vmov v17;
	v19 =	vmul.f32 $4.096000000e+03, v7;
	v20 =	vtrunc.f32 v20  }
.LBB2_17:
0xbb: {  	s14 =	simm.s32 $0x1  }
0xbc: {  	s6 =	sadd.s32 $0x4, s6;
	v21 =	vmul.f32 $4.096000000e+03, v8;
	v20 =	vcvt.f32.s32 v20;
	v22 =	vld.idx.msk [tilespmem:v13+s4+$0x0], $0xffff;
	v23 =	vmov v8;
	s14 =	simm.s32 @!p0 $0x0  }
0xbd: {  	v8 =	vtrunc.f32 v18;
	s8 =	sadd.s32 $0x80, s8;
	p1 =	slt.u32 s6, $0x3FC;
	v18 =	vtrunc.f32 v19;
	s14 =	sshll.u32 s14, $0x6;
	v19 =	vld.idx.msk [tilespmem:v17+s4+$0x0], $0xffff  }
0xbe: {  	v17 =	vtrunc.f32 v21;
	v20 =	vand.u32 $0xFFFFFFF0, v20;
	s14 =	sadd.s32 s14, s8;
	v21 =	vld.idx.msk [tilespmem:v11+s16+$0x0], $0xffff;
	v11 =	vmul.f32 v14, v1;
	v1 =	vmovc v6  }
0xbf: {  	v8 =	vcvt.f32.s32 v8;
	v14 =	vcvt.f32.s32 v18;
	v20 =	vor.u32 v0, v20;
	s12 =	sor.u32 $0x80, s14;
	s20 =	sor.u32 $0x90, s14;
	s15 =	sor.u32 $0xB0, s14;
	v18 =	vld.idx.msk [tilespmem:v13+s16+$0x0], $0xffff  }
0xc0: {  	v12 =	vadd.f32 v12, v9;
	v17 =	vcvt.f32.s32 v17;
	s14 =	sor.u32 $0xA0, s14;
	v6 =	vld [tilespmem:s15+$0x2000];
	v15 =	vadd.f32 v15, v11  }
0xc1: {  	v8 =	vand.u32 $0xFFFFFFF0, v8;
	v16 =	vmul.f32 v16, v2;
	v2 =	vmovc v5;
	v9 =	vand.u32 $0xFFFFFFF0, v14;
	v5 =	vld [tilespmem:s12+$0x2000]  }
0xc2: {  	v11 =	vor.u32 v0, v8;
	v13 =	vor.u32 v0, v9;
	v9 =	vand.u32 $0xFFFFFFF0, v17;
	v24 =	vld [tilespmem:s20+$0x2000];
	[tilespmem:s30+$0xA000] =	vst v15;
	s30 =	smov.u32 s31;
	s31 =	smov.u32 s15  }
.Ltmp10:
0xc3: {  	v17 =	vor.u32 v0, v9;
	v15 =	vmul.f32 v22, v4;
	v9 =	vmul.f32 v19, v3;
	v8 =	vld [tilespmem:s14+$0x2000];
	[tilespmem:s25+$0xA000] =	vst v12;
	s25 =	smov.u32 s26;
	s26 =	smov.u32 s13;
	(pc) =	sbr.rel @p1 .LBB2_17-.Ltmp10, $4  }
0xc4: {  	v4 =	vmov v7;
	v3 =	vmov v23;
	v16 =	vadd.f32 v21, v16;
	s13 =	smov.u32 s14;
	v14 =	vld.idx.msk [tilespmem:v20+s4+$0x0], $0xffff  }
0xc5: {  	v21 =	vadd.f32 v18, v15;
	v22 =	vmul.f32 $4.096000000e+03, v6;
	v12 =	vld.idx.msk [tilespmem:v10+s16+$0x0], $0xffff;
	v10 =	vmov v17  }
0xc6: {  	v18 =	vmul.f32 $4.096000000e+03, v5;
	v15 =	vld.idx.msk [tilespmem:v20+s16+$0x0], $0xffff;
	[tilespmem:s28+$0xA000] =	vst v16;
	s28 =	smov.u32 s0;
	s0 =	smov.u32 s12  }
0xc7: {  	p0 =	por !p0, !p0;
	v19 =	vmul.f32 $4.096000000e+03, v24;
	v20 =	vtrunc.f32 v22;
	v16 =	vld.idx.msk [tilespmem:v11+s4+$0x0], $0xffff;
	[tilespmem:s29+$0xA000] =	vst v21;
	v7 =	vmov v24;
	s29 =	smov.u32 s2;
	s2 =	smov.u32 s20  }
0xc8: {  	_ = 	snop  }
0xc9: {  	v20 =	vcvt.f32.s32 v20  }
0xca: {  	v18 =	vtrunc.f32 v18  }
0xcb: {  	v21 =	vmul.f32 $4.096000000e+03, v8;
	v18 =	vcvt.f32.s32 v18;
	v20 =	vand.u32 $0xFFFFFFF0, v20  }
0xcc: {  	v22 =	vld.idx.msk [tilespmem:v13+s4+$0x0], $0xffff;
	v19 =	vtrunc.f32 v19;
	v20 =	vor.u32 v0, v20  }
0xcd: {  	v17 =	vld.idx.msk [tilespmem:v17+s4+$0x0], $0xffff;
	v21 =	vtrunc.f32 v21;
	v19 =	vcvt.f32.s32 v19;
	v18 =	vand.u32 $0xFFFFFFF0, v18  }
0xce: {  	v11 =	vld.idx.msk [tilespmem:v11+s16+$0x0], $0xffff;
	v21 =	vcvt.f32.s32 v21;
	v18 =	vor.u32 v0, v18  }
0xcf: {  	v57 =	vld.idx.msk [tilespmem:v13+s16+$0x0], $0xffff;
	v19 =	vand.u32 $0xFFFFFFF0, v19  }
0xd0: {  	v10 =	vld.idx.msk [tilespmem:v10+s16+$0x0], $0xffff;
	v19 =	vor.u32 v0, v19;
	v21 =	vand.u32 $0xFFFFFFF0, v21  }
0xd1: {  	v21 =	vor.u32 v0, v21;
	v23 =	vld.idx.msk [tilespmem:v20+s4+$0x0], $0xffff  }
0xd2: {  	v20 =	vld.idx.msk [tilespmem:v20+s16+$0x0], $0xffff  }
0xd3: {  	v1 =	vmul.f32 v14, v1;
	v58 =	vld.idx.msk [tilespmem:v18+s4+$0x0], $0xffff  }
0xd4: {  	v60 =	vld.idx.msk [tilespmem:v18+s16+$0x0], $0xffff  }
0xd5: {  	v1 =	vadd.f32 v15, v1;
	v2 =	vmul.f32 v16, v2;
	v24 =	vld.idx.msk [tilespmem:v19+s4+$0x0], $0xffff  }
0xd6: {  	v9 =	vadd.f32 v12, v9;
	v4 =	vmul.f32 v22, v4;
	v59 =	vld.idx.msk [tilespmem:v21+s4+$0x0], $0xffff  }
0xd7: {  	[tilespmem:s30+$0xA000] =	vst v1;
	v1 =	vadd.f32 v11, v2;
	v61 =	vld.idx.msk [tilespmem:v19+s16+$0x0], $0xffff;
	v2 =	vmul.f32 v23, v6  }
0xd8: {  	[tilespmem:s25+$0xA000] =	vst v9;
	v3 =	vmul.f32 v17, v3;
	v4 =	vadd.f32 v57, v4;
	v62 =	vld.idx.msk [tilespmem:v21+s16+$0x0], $0xffff  }
0xd9: {  	[tilespmem:s28+$0xA000] =	vst v1;
	v1 =	vadd.f32 v20, v2;
	v2 =	vmul.f32 v58, v5  }
0xda: {  	v3 =	vadd.f32 v10, v3;
	[tilespmem:s29+$0xA000] =	vst v4;
	v63 =	vmul.f32 v24, v7  }
0xdb: {  	[tilespmem:s31+$0xA000] =	vst v1;
	v1 =	vmul.f32 v59, v8;
	v2 =	vadd.f32 v60, v2  }
0xdc: {  	[tilespmem:s26+$0xA000] =	vst v3;
	v3 =	vadd.f32 v61, v63  }
0xdd: {  	s31 =	sadd.s32 s24, s3;
	[tilespmem:s0+$0xA000] =	vst v2;
	v1 =	vadd.f32 v62, v1  }
0xde: {  	s6 =	simm.s32 $0x10;
	[tilespmem:s2+$0xA000] =	vst v3;
	s0 =	sadd.s32 $0x800, s31  }
0xdf: {  	s8 =	simm.s32 $0xA180;
	s2 =	simm.s32 $0xA080;
	[tilespmem:s13+$0xA000] =	vst v1;
	s13 =	sadd.s32 $0x0, s0  }
.LBB2_19:
0xe0: {  	[hbm4b:s13+s4] =	stream.linear.scatter [tilespmem:s2], [sflag:$0x4], $0x80, $0x38;
	[tilespmem:$0x12000] =	vst v63  }
0xe1: {  	s12 =	smov.u32 s6;
	s2 =	smov.u32 s8;
	p0 =	sne.s32 s6, $0x7F0  }
.Ltmp11:
0xe2: {  	s6 =	sadd.s32 $0x10, s6;
	(pc) =	sbr.rel @p0 .LBB2_19-.Ltmp11, $2  }
0xe3: {  	_ =	sdelay $0x2  }
0xe4: {  	s8 =	sadd.s32 $0x100, s8;
	s13 =	sadd.s32 s12, s0  }
0xe5: {  	p0 =	seq.s32 s22, $0xF  }
.Ltmp12:
0xe6: {  	_ = 	snop;
	(pc) =	sbr.rel @p0 .LBB2_24-.Ltmp12, $2  }
0xe7: {  	_ =	sdelay $0x2  }
0xe8: {  	[hbm4b:s13+s4] =	stream.linear.scatter [tilespmem:s2], [sflag:$0x4], $0x80, $0x38;
	[tilespmem:$0x12000] =	vst v63  }
0xe9: {  	s0 =	sadd.s32 s23, s11  }
0xea: {  	s0 =	sshrl.u32 s0, $0x3  }
0xeb: {  	s2 =	simm.s32 $0x2080;
	s0 =	sadd.s32 s1, s0  }
0xec: {  	s6 =	simm.s32 $0x10;
	s8 =	simm.s32 $0x2180;
	s13 =	sadd.s32 $0x0, s0  }
.LBB2_22:
0xed: {  	[tilespmem:s2], [sflag:$0x2] =	stream.linear.gather [hbm4b:s13+s4], $0x80, $0x38;
	[tilespmem:$0x12000] =	vst v63  }
0xee: {  	s12 =	smov.u32 s6;
	s2 =	smov.u32 s8;
	p0 =	sne.s32 s6, $0x7F0  }
.Ltmp13:
0xef: {  	s6 =	sadd.s32 $0x10, s6;
	(pc) =	sbr.rel @p0 .LBB2_22-.Ltmp13, $2  }
0xf0: {  	_ =	sdelay $0x2  }
0xf1: {  	s8 =	sadd.s32 $0x100, s8;
	s13 =	sadd.s32 s12, s0  }
.Ltmp14:
0xf2: {  	(pc) =	sbr.rel .LBB2_6-.Ltmp14, $3  }
0xf3: {  	_ =	sdelay $0x1  }
0xf4: {  	[tilespmem:s2], [sflag:$0x2] =	stream.linear.gather [hbm4b:s13+s4], $0x80, $0x38;
	[tilespmem:$0x12000] =	vst v63  }
0xf5: {  	s22 =	sadd.s32 $0x1, s22  }
.LBB2_25:
0xf6: {  	_ =	sfence.sel $0x180000  }
0xf7: {  	[bflag:$0x0] =	sbarrier.arrive $0xFFFF  }
0xf8: {  	_ =	strace $0x90000047  }
0xf9: {  	s0 =	stileid.u32;
	[bflag:$0x2] =	sbarrier.arrive $0xFFFF  }
0xfa: {  	p0 =	sne.s32 s0, $0x0;
	s0 =	rddreg [dreg:$0x3]  }
0xfb: {  	s0 =	sadd.s32 @!p0 $0x100000, s0  }
0xfc: {  	[sflag:s0] =	ssyncadd.tile.s32 @!p0 $0x1;
	_ =	shalt  }
.Lfunc_end2:
_tile_overlayer_lowered:
.L_overlay_start_2:
0xfd: {  	(tag) =	ssettag $0x2  }
0xfe: {  	s0 =	rddreg [dreg:$0x0];
	s2 =	stileid.u32  }
0xff: {  	s1 =	rddreg [dreg:$0x1];
	p0 =	sne.s32 s2, $0x0  }
0x100: {  	s3 =	rddreg [dreg:$0x2];
	[bflag:$0x3] =	sbarrier.arrive $0xFFFF;
	s2 =	simm.s32 @!p0 $0x1C05  }
0x101: {  	[timem:s3], [sflag:s2] =	dma.local @!p0 [hbm:s0], s1  }
0x102: {  	s0 =	simm.s32 @!p0 $0x5  }
0x103: {  	_ =	swait.ge @!p0 [sflag:s0], s1  }
0x104: {  	s1 =	ssub.s32 @!p0 $0x0, s1;
	[sflag:s0] =	ssyncset.done @!p0 $0x0  }
0x105: {  	[sflag:s0] =	ssyncadd.s32 @!p0 s1  }
0x106: {  	[bflag:$0x3] =	sbarrier.arrive $0xFFFF  }
0x107: {  	_ =	shalt  }

</sc_bundles>
